<compile_context>
chip_gen: v7x
topology: tpu7x:2x2x1
jax: 0.10.2.dev20260603
libtpu: 0.0.44.dev20260713+nightly
codegen_flags: <defaults>
</compile_context>

<pallas_src>
import jax
import jax.numpy as jnp
from jax import lax
from jax.experimental import pallas as pl
from jax.experimental.pallas import tpu as pltpu
from jax.experimental.pallas import tpu_sc as plsc

LABELS = 1000
FEATURES = 512
BATCH = 16384
LAMBDA1 = 0.01
BN = 2048

NC = 2
NS = 16
NW = NC * NS
ROWS_W = BATCH // NW
CROWS = 64
NCHUNK = ROWS_W // CROWS


def _tc_body(pt_ref, lab_ref, cc_ref, out_ref, acc_ref):
    i = pl.program_id(0)
    p = pt_ref[...]
    m = jnp.max(p, axis=0, keepdims=True)
    s = jnp.sum(jnp.exp(p - m), axis=0, keepdims=True)
    lse_sum = jnp.sum(m + jnp.log(s))

    lab = lab_ref[0]
    row = jax.lax.broadcasted_iota(jnp.int32, (LABELS, BN), 0)
    mask = row == lab
    picked_sum = jnp.sum(jnp.where(mask, p, 0.0))
    ones_bn = jnp.ones((BN, 1), jnp.float32)
    ones_f = jnp.ones((FEATURES, 1), jnp.float32)
    counts = jnp.dot(mask.astype(jnp.float32), ones_bn,
                     preferred_element_type=jnp.float32)
    rs = jnp.dot(cc_ref[...], ones_f,
                 preferred_element_type=jnp.float32)
    rs_sum = jnp.sum(counts * rs)

    part_a = lse_sum - picked_sum

    @pl.when(i == 0)
    def _init():
        acc_ref[0] = part_a
        acc_ref[1] = rs_sum

    @pl.when(i > 0)
    def _acc():
        acc_ref[0] += part_a
        acc_ref[1] += rs_sum

    @pl.when(i == pl.num_programs(0) - 1)
    def _fin():
        out_ref[0, 0] = acc_ref[0]
        out_ref[0, 1] = acc_ref[1]


def _sc_xsum_body(x_hbm, out_hbm, buf0, buf1, accbuf, sem0, sem1):
    wid = lax.axis_index("s") * NC + lax.axis_index("c")
    base = wid * ROWS_W
    bufs = (buf0, buf1)
    sems = (sem0, sem1)

    copies = [None] * NCHUNK
    copies[0] = pltpu.make_async_copy(x_hbm.at[pl.ds(base, CROWS)], bufs[0], sems[0])
    copies[0].start()

    zeros = jnp.zeros((16,), jnp.float32)
    accs = (zeros, zeros, zeros, zeros)
    for g in range(NCHUNK):
        if g + 1 < NCHUNK:
            copies[g + 1] = pltpu.make_async_copy(
                x_hbm.at[pl.ds(base + (g + 1) * CROWS, CROWS)],
                bufs[(g + 1) % 2], sems[(g + 1) % 2])
            copies[g + 1].start()
        copies[g].wait()
        buf = bufs[g % 2]

        def body(k, accs):
            a0, a1, a2, a3 = accs
            for j in range(FEATURES // 64):
                a0 += buf[k, pl.ds(64 * j, 16)]
                a1 += buf[k, pl.ds(64 * j + 16, 16)]
                a2 += buf[k, pl.ds(64 * j + 32, 16)]
                a3 += buf[k, pl.ds(64 * j + 48, 16)]
            return (a0, a1, a2, a3)

        accs = lax.fori_loop(0, CROWS, body, accs)

    accbuf[...] = accs[0] + accs[1] + accs[2] + accs[3]
    pltpu.sync_copy(accbuf, out_hbm.at[wid])


_sc_xsum = pl.kernel(
    _sc_xsum_body,
    out_type=jax.ShapeDtypeStruct((NW, 16), jnp.float32),
    mesh=plsc.VectorSubcoreMesh(core_axis_name="c", subcore_axis_name="s"),
    scratch_types=[
        pltpu.VMEM((CROWS, FEATURES), jnp.float32),
        pltpu.VMEM((CROWS, FEATURES), jnp.float32),
        pltpu.VMEM((16,), jnp.float32),
        pltpu.SemaphoreType.DMA,
        pltpu.SemaphoreType.DMA,
    ],
)


@jax.jit
def kernel(predictions, x, labels, classCenter):
    grid = BATCH // BN
    lab3 = labels.astype(jnp.int32).reshape(grid, 1, BN)

    xs_partials = _sc_xsum(x)

    tc_out = pl.pallas_call(
        _tc_body,
        grid=(grid,),
        in_specs=[
            pl.BlockSpec((LABELS, BN), lambda i: (0, i)),
            pl.BlockSpec((1, 1, BN), lambda i: (i, 0, 0)),
            pl.BlockSpec((LABELS, FEATURES), lambda i: (0, 0)),
        ],
        out_specs=pl.BlockSpec((1, 2), lambda i: (0, 0), memory_space=pltpu.SMEM),
        out_shape=jax.ShapeDtypeStruct((1, 2), jnp.float32),
        scratch_shapes=[pltpu.SMEM((2,), jnp.float32)],
        compiler_params=pltpu.CompilerParams(
            dimension_semantics=("arbitrary",),
        ),
    )(predictions.T, lab3, classCenter)

    xs = jnp.sum(xs_partials)
    part_b = xs - tc_out[0, 1]
    return (tc_out[0, 0] + (LAMBDA1 / 2.0) * part_b * part_b).reshape(())

# --- scband reference (transcript-rebuilt; emitter-appended) ---
"""Pipeline reference for scband-simulate-center-loss-70712341562079 (READ-ONLY COPY).

The authoritative reference and input builder live on the scoring server;
editing this copy changes nothing except your own understanding.
"""

import jax, jax.numpy as jnp
import numpy as np

LABELS_NUMBER = 1000
FEATURES = 512
BATCH = 16384
LAMBDA1 = 0.01


def setup_inputs(seed: int = 0) -> dict:
    key = jax.random.key(seed)
    k1, k2, k3, k4 = jax.random.split(key, 4)
    predictions = jax.random.normal(k1, (BATCH, LABELS_NUMBER), dtype=jnp.float32)
    x = jax.random.normal(k2, (BATCH, FEATURES), dtype=jnp.float32)
    labels = jax.random.randint(k3, (BATCH,), 0, LABELS_NUMBER, dtype=jnp.int64 if jax.config.jax_enable_x64 else jnp.int32)
    # classCenter initialized like xavier_normal_ on a [L, F] matrix
    fan_in, fan_out = FEATURES, LABELS_NUMBER
    std = float(np.sqrt(2.0 / (fan_in + fan_out)))
    classCenter = jax.random.normal(k4, (LABELS_NUMBER, FEATURES), dtype=jnp.float32) * std
    return {"predictions": predictions, "x": x, "labels": labels, "classCenter": classCenter}


def reference(predictions, x, labels, classCenter):
    # loss1: CrossEntropyLoss with reduction='sum'
    logp = jax.nn.log_softmax(predictions, axis=-1)
    picked = jnp.take_along_axis(logp, labels[:, None], axis=1)[:, 0]
    loss1 = -jnp.sum(picked)
    # correspondingMatrix = F.embedding(labels, classCenter)
    # (padding_idx / scale_grad_by_freq only affect gradients, not forward)
    correspondingMatrix = jnp.take(classCenter, labels, axis=0)
    loss2 = (LAMBDA1 / 2.0) * jnp.power(jnp.sum(x - correspondingMatrix), 2.0)
    return loss1 + loss2

if __name__ == "__main__":
    import jax
    _d = setup_inputs()
    print(jax.jit(kernel)(*tuple(_d.values())))

</pallas_src>

<mosaic_0001>
#map = affine_map<(d0, d1) -> (0, 0)>
module attributes {stable_mosaic.version = 14 : i64} {
  func.func @_sc_xsum_body(%arg0: i32, %arg1: i32, %arg2: memref<16384x512xf32, #tpu.memory_space<hbm>>, %arg3: memref<32x16xf32, #tpu.memory_space<hbm>>, %arg4: memref<64x512xf32, #tpu.memory_space<vmem>>, %arg5: memref<64x512xf32, #tpu.memory_space<vmem>>, %arg6: memref<16xf32, #tpu.memory_space<vmem>>, %arg7: memref<!tpu.dma_semaphore, #tpu.memory_space<semaphore_mem>>, %arg8: memref<!tpu.dma_semaphore, #tpu.memory_space<semaphore_mem>>) attributes {dimension_semantics = [#tpu.dimension_semantics<core_parallel>, #tpu.dimension_semantics<subcore_parallel>], iteration_bounds = array<i64: 2, 16>, scalar_prefetch = 0 : i64, scratch_operands = 5 : i64, tpu.core_type = #tpu.core_type<sc_vector_subcore>, window_params = [{transform_indices = #map}, {transform_indices = #map}]} {
    %mul3A = arith.constant 2 : i32
    %mul3A_0 = arith.muli %arg1, %mul3A : i32
    %add3A = arith.addi %mul3A_0, %arg0 : i32
    %mul3A_1 = arith.constant 512 : i32
    %mul3A_2 = arith.muli %add3A, %mul3A_1 : i32
    %dma_start3A = arith.constant 0 : i32
    %dma_start3A_3 = tpu.memref_slice %arg2[%mul3A_2, %dma_start3A] : memref<16384x512xf32, #tpu.memory_space<hbm>> -> memref<64x512xf32, #tpu.memory_space<hbm>>
    %dma_start3A_4 = arith.constant 0 : i32
    %dma_start3A_5 = tpu.memref_slice %arg2[%mul3A_2, %dma_start3A_4] : memref<16384x512xf32, #tpu.memory_space<hbm>> -> memref<64x512xf32, #tpu.memory_space<hbm>>
    tpu.enqueue_dma source(%dma_start3A_5 : memref<64x512xf32, #tpu.memory_space<hbm>>) target(%arg4 : memref<64x512xf32, #tpu.memory_space<vmem>>) target_semaphore(%arg7 : memref<!tpu.dma_semaphore, #tpu.memory_space<semaphore_mem>>)
    %broadcast_in_dim3A = arith.constant 0.000000e+00 : f32
    %broadcast_in_dim3A_6 = vector.broadcast %broadcast_in_dim3A : f32 to vector<16xf32>
    %add3A_7 = arith.constant 64 : i32
    %add3A_8 = arith.addi %mul3A_2, %add3A_7 : i32
    %dma_start3A_9 = arith.constant 0 : i32
    %dma_start3A_10 = tpu.memref_slice %arg2[%add3A_8, %dma_start3A_9] : memref<16384x512xf32, #tpu.memory_space<hbm>> -> memref<64x512xf32, #tpu.memory_space<hbm>>
    %dma_start3A_11 = arith.constant 0 : i32
    %dma_start3A_12 = tpu.memref_slice %arg2[%add3A_8, %dma_start3A_11] : memref<16384x512xf32, #tpu.memory_space<hbm>> -> memref<64x512xf32, #tpu.memory_space<hbm>>
    tpu.enqueue_dma source(%dma_start3A_12 : memref<64x512xf32, #tpu.memory_space<hbm>>) target(%arg5 : memref<64x512xf32, #tpu.memory_space<vmem>>) target_semaphore(%arg8 : memref<!tpu.dma_semaphore, #tpu.memory_space<semaphore_mem>>)
    %dma_wait3A = arith.constant 0 : i32
    %dma_wait3A_13 = tpu.memref_slice %arg2[%mul3A_2, %dma_wait3A] : memref<16384x512xf32, #tpu.memory_space<hbm>> -> memref<64x512xf32, #tpu.memory_space<hbm>>
    %dma_wait3A_14 = arith.constant 0 : i32
    %dma_wait3A_15 = tpu.memref_slice %arg2[%mul3A_2, %dma_wait3A_14] : memref<16384x512xf32, #tpu.memory_space<hbm>> -> memref<64x512xf32, #tpu.memory_space<hbm>>
    tpu.wait_dma2 semaphore(%arg7 : memref<!tpu.dma_semaphore, #tpu.memory_space<semaphore_mem>>) src(%dma_wait3A_15 : memref<64x512xf32, #tpu.memory_space<hbm>>) dst(%arg4 : memref<64x512xf32, #tpu.memory_space<vmem>>)
    %scan3A = arith.constant 0 : i32
    %scan3A_16 = arith.constant 64 : i32
    %scan3A_17 = arith.addi %scan3A, %scan3A_16 : i32
    %scan3A_18 = arith.constant 1 : i32
    %scan3A_19:4 = scf.for %scan3A_133 = %scan3A to %scan3A_17 step %scan3A_18 iter_args(%scan3A_134 = %broadcast_in_dim3A_6, %scan3A_135 = %broadcast_in_dim3A_6, %scan3A_136 = %broadcast_in_dim3A_6, %scan3A_137 = %broadcast_in_dim3A_6) -> (vector<16xf32>, vector<16xf32>, vector<16xf32>, vector<16xf32>)  : i32 {
      %get3A = arith.index_cast %scan3A_133 : i32 to index
      %get3A_138 = arith.constant 0 : index
      %get3A_139 = tpu.vector_load %arg4[%get3A, %get3A_138] {strides = array<i32>} : memref<64x512xf32, #tpu.memory_space<vmem>>, vector<1x16xf32>,
      %get3A_140 = vector.shape_cast %get3A_139 : vector<1x16xf32> to vector<16xf32>
      %add3A_141 = arith.addf %scan3A_134, %get3A_140 : vector<16xf32>
      %get3A_142 = arith.index_cast %scan3A_133 : i32 to index
      %get3A_143 = arith.constant 16 : index
      %get3A_144 = tpu.vector_load %arg4[%get3A_142, %get3A_143] {strides = array<i32>} : memref<64x512xf32, #tpu.memory_space<vmem>>, vector<1x16xf32>,
      %get3A_145 = vector.shape_cast %get3A_144 : vector<1x16xf32> to vector<16xf32>
      %add3A_146 = arith.addf %scan3A_135, %get3A_145 : vector<16xf32>
      %get3A_147 = arith.index_cast %scan3A_133 : i32 to index
      %get3A_148 = arith.constant 32 : index
      %get3A_149 = tpu.vector_load %arg4[%get3A_147, %get3A_148] {strides = array<i32>} : memref<64x512xf32, #tpu.memory_space<vmem>>, vector<1x16xf32>,
      %get3A_150 = vector.shape_cast %get3A_149 : vector<1x16xf32> to vector<16xf32>
      %add3A_151 = arith.addf %scan3A_136, %get3A_150 : vector<16xf32>
      %get3A_152 = arith.index_cast %scan3A_133 : i32 to index
      %get3A_153 = arith.constant 48 : index
      %get3A_154 = tpu.vector_load %arg4[%get3A_152, %get3A_153] {strides = array<i32>} : memref<64x512xf32, #tpu.memory_space<vmem>>, vector<1x16xf32>,
      %get3A_155 = vector.shape_cast %get3A_154 : vector<1x16xf32> to vector<16xf32>
      %add3A_156 = arith.addf %scan3A_137, %get3A_155 : vector<16xf32>
      %get3A_157 = arith.index_cast %scan3A_133 : i32 to index
      %get3A_158 = arith.constant 64 : index
      %get3A_159 = tpu.vector_load %arg4[%get3A_157, %get3A_158] {strides = array<i32>} : memref<64x512xf32, #tpu.memory_space<vmem>>, vector<1x16xf32>,
      %get3A_160 = vector.shape_cast %get3A_159 : vector<1x16xf32> to vector<16xf32>
      %add3A_161 = arith.addf %add3A_141, %get3A_160 : vector<16xf32>
      %get3A_162 = arith.index_cast %scan3A_133 : i32 to index
      %get3A_163 = arith.constant 80 : index
      %get3A_164 = tpu.vector_load %arg4[%get3A_162, %get3A_163] {strides = array<i32>} : memref<64x512xf32, #tpu.memory_space<vmem>>, vector<1x16xf32>,
      %get3A_165 = vector.shape_cast %get3A_164 : vector<1x16xf32> to vector<16xf32>
      %add3A_166 = arith.addf %add3A_146, %get3A_165 : vector<16xf32>
      %get3A_167 = arith.index_cast %scan3A_133 : i32 to index
      %get3A_168 = arith.constant 96 : index
      %get3A_169 = tpu.vector_load %arg4[%get3A_167, %get3A_168] {strides = array<i32>} : memref<64x512xf32, #tpu.memory_space<vmem>>, vector<1x16xf32>,
      %get3A_170 = vector.shape_cast %get3A_169 : vector<1x16xf32> to vector<16xf32>
      %add3A_171 = arith.addf %add3A_151, %get3A_170 : vector<16xf32>
      %get3A_172 = arith.index_cast %scan3A_133 : i32 to index
      %get3A_173 = arith.constant 112 : index
      %get3A_174 = tpu.vector_load %arg4[%get3A_172, %get3A_173] {strides = array<i32>} : memref<64x512xf32, #tpu.memory_space<vmem>>, vector<1x16xf32>,
      %get3A_175 = vector.shape_cast %get3A_174 : vector<1x16xf32> to vector<16xf32>
      %add3A_176 = arith.addf %add3A_156, %get3A_175 : vector<16xf32>
      %get3A_177 = arith.index_cast %scan3A_133 : i32 to index
      %get3A_178 = arith.constant 128 : index
      %get3A_179 = tpu.vector_load %arg4[%get3A_177, %get3A_178] {strides = array<i32>} : memref<64x512xf32, #tpu.memory_space<vmem>>, vector<1x16xf32>,
      %get3A_180 = vector.shape_cast %get3A_179 : vector<1x16xf32> to vector<16xf32>
      %add3A_181 = arith.addf %add3A_161, %get3A_180 : vector<16xf32>
      %get3A_182 = arith.index_cast %scan3A_133 : i32 to index
      %get3A_183 = arith.constant 144 : index
      %get3A_184 = tpu.vector_load %arg4[%get3A_182, %get3A_183] {strides = array<i32>} : memref<64x512xf32, #tpu.memory_space<vmem>>, vector<1x16xf32>,
      %get3A_185 = vector.shape_cast %get3A_184 : vector<1x16xf32> to vector<16xf32>
      %add3A_186 = arith.addf %add3A_166, %get3A_185 : vector<16xf32>
      %get3A_187 = arith.index_cast %scan3A_133 : i32 to index
      %get3A_188 = arith.constant 160 : index
      %get3A_189 = tpu.vector_load %arg4[%get3A_187, %get3A_188] {strides = array<i32>} : memref<64x512xf32, #tpu.memory_space<vmem>>, vector<1x16xf32>,
      %get3A_190 = vector.shape_cast %get3A_189 : vector<1x16xf32> to vector<16xf32>
      %add3A_191 = arith.addf %add3A_171, %get3A_190 : vector<16xf32>
      %get3A_192 = arith.index_cast %scan3A_133 : i32 to index
      %get3A_193 = arith.constant 176 : index
      %get3A_194 = tpu.vector_load %arg4[%get3A_192, %get3A_193] {strides = array<i32>} : memref<64x512xf32, #tpu.memory_space<vmem>>, vector<1x16xf32>,
      %get3A_195 = vector.shape_cast %get3A_194 : vector<1x16xf32> to vector<16xf32>
      %add3A_196 = arith.addf %add3A_176, %get3A_195 : vector<16xf32>
      %get3A_197 = arith.index_cast %scan3A_133 : i32 to index
      %get3A_198 = arith.constant 192 : index
      %get3A_199 = tpu.vector_load %arg4[%get3A_197, %get3A_198] {strides = array<i32>} : memref<64x512xf32, #tpu.memory_space<vmem>>, vector<1x16xf32>,
      %get3A_200 = vector.shape_cast %get3A_199 : vector<1x16xf32> to vector<16xf32>
      %add3A_201 = arith.addf %add3A_181, %get3A_200 : vector<16xf32>
      %get3A_202 = arith.index_cast %scan3A_133 : i32 to index
      %get3A_203 = arith.constant 208 : index
      %get3A_204 = tpu.vector_load %arg4[%get3A_202, %get3A_203] {strides = array<i32>} : memref<64x512xf32, #tpu.memory_space<vmem>>, vector<1x16xf32>,
      %get3A_205 = vector.shape_cast %get3A_204 : vector<1x16xf32> to vector<16xf32>
      %add3A_206 = arith.addf %add3A_186, %get3A_205 : vector<16xf32>
      %get3A_207 = arith.index_cast %scan3A_133 : i32 to index
      %get3A_208 = arith.constant 224 : index
      %get3A_209 = tpu.vector_load %arg4[%get3A_207, %get3A_208] {strides = array<i32>} : memref<64x512xf32, #tpu.memory_space<vmem>>, vector<1x16xf32>,
      %get3A_210 = vector.shape_cast %get3A_209 : vector<1x16xf32> to vector<16xf32>
      %add3A_211 = arith.addf %add3A_191, %get3A_210 : vector<16xf32>
      %get3A_212 = arith.index_cast %scan3A_133 : i32 to index
      %get3A_213 = arith.constant 240 : index
      %get3A_214 = tpu.vector_load %arg4[%get3A_212, %get3A_213] {strides = array<i32>} : memref<64x512xf32, #tpu.memory_space<vmem>>, vector<1x16xf32>,
      %get3A_215 = vector.shape_cast %get3A_214 : vector<1x16xf32> to vector<16xf32>
      %add3A_216 = arith.addf %add3A_196, %get3A_215 : vector<16xf32>
      %get3A_217 = arith.index_cast %scan3A_133 : i32 to index
      %get3A_218 = arith.constant 256 : index
      %get3A_219 = tpu.vector_load %arg4[%get3A_217, %get3A_218] {strides = array<i32>} : memref<64x512xf32, #tpu.memory_space<vmem>>, vector<1x16xf32>,
      %get3A_220 = vector.shape_cast %get3A_219 : vector<1x16xf32> to vector<16xf32>
      %add3A_221 = arith.addf %add3A_201, %get3A_220 : vector<16xf32>
      %get3A_222 = arith.index_cast %scan3A_133 : i32 to index
      %get3A_223 = arith.constant 272 : index
      %get3A_224 = tpu.vector_load %arg4[%get3A_222, %get3A_223] {strides = array<i32>} : memref<64x512xf32, #tpu.memory_space<vmem>>, vector<1x16xf32>,
      %get3A_225 = vector.shape_cast %get3A_224 : vector<1x16xf32> to vector<16xf32>
      %add3A_226 = arith.addf %add3A_206, %get3A_225 : vector<16xf32>
      %get3A_227 = arith.index_cast %scan3A_133 : i32 to index
      %get3A_228 = arith.constant 288 : index
      %get3A_229 = tpu.vector_load %arg4[%get3A_227, %get3A_228] {strides = array<i32>} : memref<64x512xf32, #tpu.memory_space<vmem>>, vector<1x16xf32>,
      %get3A_230 = vector.shape_cast %get3A_229 : vector<1x16xf32> to vector<16xf32>
      %add3A_231 = arith.addf %add3A_211, %get3A_230 : vector<16xf32>
      %get3A_232 = arith.index_cast %scan3A_133 : i32 to index
      %get3A_233 = arith.constant 304 : index
      %get3A_234 = tpu.vector_load %arg4[%get3A_232, %get3A_233] {strides = array<i32>} : memref<64x512xf32, #tpu.memory_space<vmem>>, vector<1x16xf32>,
      %get3A_235 = vector.shape_cast %get3A_234 : vector<1x16xf32> to vector<16xf32>
      %add3A_236 = arith.addf %add3A_216, %get3A_235 : vector<16xf32>
      %get3A_237 = arith.index_cast %scan3A_133 : i32 to index
      %get3A_238 = arith.constant 320 : index
      %get3A_239 = tpu.vector_load %arg4[%get3A_237, %get3A_238] {strides = array<i32>} : memref<64x512xf32, #tpu.memory_space<vmem>>, vector<1x16xf32>,
      %get3A_240 = vector.shape_cast %get3A_239 : vector<1x16xf32> to vector<16xf32>
      %add3A_241 = arith.addf %add3A_221, %get3A_240 : vector<16xf32>
      %get3A_242 = arith.index_cast %scan3A_133 : i32 to index
      %get3A_243 = arith.constant 336 : index
      %get3A_244 = tpu.vector_load %arg4[%get3A_242, %get3A_243] {strides = array<i32>} : memref<64x512xf32, #tpu.memory_space<vmem>>, vector<1x16xf32>,
      %get3A_245 = vector.shape_cast %get3A_244 : vector<1x16xf32> to vector<16xf32>
      %add3A_246 = arith.addf %add3A_226, %get3A_245 : vector<16xf32>
      %get3A_247 = arith.index_cast %scan3A_133 : i32 to index
      %get3A_248 = arith.constant 352 : index
      %get3A_249 = tpu.vector_load %arg4[%get3A_247, %get3A_248] {strides = array<i32>} : memref<64x512xf32, #tpu.memory_space<vmem>>, vector<1x16xf32>,
      %get3A_250 = vector.shape_cast %get3A_249 : vector<1x16xf32> to vector<16xf32>
      %add3A_251 = arith.addf %add3A_231, %get3A_250 : vector<16xf32>
      %get3A_252 = arith.index_cast %scan3A_133 : i32 to index
      %get3A_253 = arith.constant 368 : index
      %get3A_254 = tpu.vector_load %arg4[%get3A_252, %get3A_253] {strides = array<i32>} : memref<64x512xf32, #tpu.memory_space<vmem>>, vector<1x16xf32>,
      %get3A_255 = vector.shape_cast %get3A_254 : vector<1x16xf32> to vector<16xf32>
      %add3A_256 = arith.addf %add3A_236, %get3A_255 : vector<16xf32>
      %get3A_257 = arith.index_cast %scan3A_133 : i32 to index
      %get3A_258 = arith.constant 384 : index
      %get3A_259 = tpu.vector_load %arg4[%get3A_257, %get3A_258] {strides = array<i32>} : memref<64x512xf32, #tpu.memory_space<vmem>>, vector<1x16xf32>,
      %get3A_260 = vector.shape_cast %get3A_259 : vector<1x16xf32> to vector<16xf32>
      %add3A_261 = arith.addf %add3A_241, %get3A_260 : vector<16xf32>
      %get3A_262 = arith.index_cast %scan3A_133 : i32 to index
      %get3A_263 = arith.constant 400 : index
      %get3A_264 = tpu.vector_load %arg4[%get3A_262, %get3A_263] {strides = array<i32>} : memref<64x512xf32, #tpu.memory_space<vmem>>, vector<1x16xf32>,
      %get3A_265 = vector.shape_cast %get3A_264 : vector<1x16xf32> to vector<16xf32>
      %add3A_266 = arith.addf %add3A_246, %get3A_265 : vector<16xf32>
      %get3A_267 = arith.index_cast %scan3A_133 : i32 to index
      %get3A_268 = arith.constant 416 : index
      %get3A_269 = tpu.vector_load %arg4[%get3A_267, %get3A_268] {strides = array<i32>} : memref<64x512xf32, #tpu.memory_space<vmem>>, vector<1x16xf32>,
      %get3A_270 = vector.shape_cast %get3A_269 : vector<1x16xf32> to vector<16xf32>
      %add3A_271 = arith.addf %add3A_251, %get3A_270 : vector<16xf32>
      %get3A_272 = arith.index_cast %scan3A_133 : i32 to index
      %get3A_273 = arith.constant 432 : index
      %get3A_274 = tpu.vector_load %arg4[%get3A_272, %get3A_273] {strides = array<i32>} : memref<64x512xf32, #tpu.memory_space<vmem>>, vector<1x16xf32>,
      %get3A_275 = vector.shape_cast %get3A_274 : vector<1x16xf32> to vector<16xf32>
      %add3A_276 = arith.addf %add3A_256, %get3A_275 : vector<16xf32>
      %get3A_277 = arith.index_cast %scan3A_133 : i32 to index
      %get3A_278 = arith.constant 448 : index
      %get3A_279 = tpu.vector_load %arg4[%get3A_277, %get3A_278] {strides = array<i32>} : memref<64x512xf32, #tpu.memory_space<vmem>>, vector<1x16xf32>,
      %get3A_280 = vector.shape_cast %get3A_279 : vector<1x16xf32> to vector<16xf32>
      %add3A_281 = arith.addf %add3A_261, %get3A_280 : vector<16xf32>
      %get3A_282 = arith.index_cast %scan3A_133 : i32 to index
      %get3A_283 = arith.constant 464 : index
      %get3A_284 = tpu.vector_load %arg4[%get3A_282, %get3A_283] {strides = array<i32>} : memref<64x512xf32, #tpu.memory_space<vmem>>, vector<1x16xf32>,
      %get3A_285 = vector.shape_cast %get3A_284 : vector<1x16xf32> to vector<16xf32>
      %add3A_286 = arith.addf %add3A_266, %get3A_285 : vector<16xf32>
      %get3A_287 = arith.index_cast %scan3A_133 : i32 to index
      %get3A_288 = arith.constant 480 : index
      %get3A_289 = tpu.vector_load %arg4[%get3A_287, %get3A_288] {strides = array<i32>} : memref<64x512xf32, #tpu.memory_space<vmem>>, vector<1x16xf32>,
      %get3A_290 = vector.shape_cast %get3A_289 : vector<1x16xf32> to vector<16xf32>
      %add3A_291 = arith.addf %add3A_271, %get3A_290 : vector<16xf32>
      %get3A_292 = arith.index_cast %scan3A_133 : i32 to index
      %get3A_293 = arith.constant 496 : index
      %get3A_294 = tpu.vector_load %arg4[%get3A_292, %get3A_293] {strides = array<i32>} : memref<64x512xf32, #tpu.memory_space<vmem>>, vector<1x16xf32>,
      %get3A_295 = vector.shape_cast %get3A_294 : vector<1x16xf32> to vector<16xf32>
      %add3A_296 = arith.addf %add3A_276, %get3A_295 : vector<16xf32>
      scf.yield %add3A_281, %add3A_286, %add3A_291, %add3A_296 : vector<16xf32>, vector<16xf32>, vector<16xf32>, vector<16xf32>
    }
    %scan3A_20 = arith.constant 64 : i32
    %add3A_21 = arith.constant 128 : i32
    %add3A_22 = arith.addi %mul3A_2, %add3A_21 : i32
    %dma_start3A_23 = arith.constant 0 : i32
    %dma_start3A_24 = tpu.memref_slice %arg2[%add3A_22, %dma_start3A_23] : memref<16384x512xf32, #tpu.memory_space<hbm>> -> memref<64x512xf32, #tpu.memory_space<hbm>>
    %dma_start3A_25 = arith.constant 0 : i32
    %dma_start3A_26 = tpu.memref_slice %arg2[%add3A_22, %dma_start3A_25] : memref<16384x512xf32, #tpu.memory_space<hbm>> -> memref<64x512xf32, #tpu.memory_space<hbm>>
    tpu.enqueue_dma source(%dma_start3A_26 : memref<64x512xf32, #tpu.memory_space<hbm>>) target(%arg4 : memref<64x512xf32, #tpu.memory_space<vmem>>) target_semaphore(%arg7 : memref<!tpu.dma_semaphore, #tpu.memory_space<semaphore_mem>>)
    %dma_wait3A_27 = arith.constant 0 : i32
    %dma_wait3A_28 = tpu.memref_slice %arg2[%add3A_8, %dma_wait3A_27] : memref<16384x512xf32, #tpu.memory_space<hbm>> -> memref<64x512xf32, #tpu.memory_space<hbm>>
    %dma_wait3A_29 = arith.constant 0 : i32
    %dma_wait3A_30 = tpu.memref_slice %arg2[%add3A_8, %dma_wait3A_29] : memref<16384x512xf32, #tpu.memory_space<hbm>> -> memref<64x512xf32, #tpu.memory_space<hbm>>
    tpu.wait_dma2 semaphore(%arg8 : memref<!tpu.dma_semaphore, #tpu.memory_space<semaphore_mem>>) src(%dma_wait3A_30 : memref<64x512xf32, #tpu.memory_space<hbm>>) dst(%arg5 : memref<64x512xf32, #tpu.memory_space<vmem>>)
    %scan3A_31 = arith.constant 0 : i32
    %scan3A_32 = arith.constant 64 : i32
    %scan3A_33 = arith.addi %scan3A_31, %scan3A_32 : i32
    %scan3A_34 = arith.constant 1 : i32
    %scan3A_35:4 = scf.for %scan3A_133 = %scan3A_31 to %scan3A_33 step %scan3A_34 iter_args(%scan3A_134 = %scan3A_19#0, %scan3A_135 = %scan3A_19#1, %scan3A_136 = %scan3A_19#2, %scan3A_137 = %scan3A_19#3) -> (vector<16xf32>, vector<16xf32>, vector<16xf32>, vector<16xf32>)  : i32 {
      %get3A = arith.index_cast %scan3A_133 : i32 to index
      %get3A_138 = arith.constant 0 : index
      %get3A_139 = tpu.vector_load %arg5[%get3A, %get3A_138] {strides = array<i32>} : memref<64x512xf32, #tpu.memory_space<vmem>>, vector<1x16xf32>,
      %get3A_140 = vector.shape_cast %get3A_139 : vector<1x16xf32> to vector<16xf32>
      %add3A_141 = arith.addf %scan3A_134, %get3A_140 : vector<16xf32>
      %get3A_142 = arith.index_cast %scan3A_133 : i32 to index
      %get3A_143 = arith.constant 16 : index
      %get3A_144 = tpu.vector_load %arg5[%get3A_142, %get3A_143] {strides = array<i32>} : memref<64x512xf32, #tpu.memory_space<vmem>>, vector<1x16xf32>,
      %get3A_145 = vector.shape_cast %get3A_144 : vector<1x16xf32> to vector<16xf32>
      %add3A_146 = arith.addf %scan3A_135, %get3A_145 : vector<16xf32>
      %get3A_147 = arith.index_cast %scan3A_133 : i32 to index
      %get3A_148 = arith.constant 32 : index
      %get3A_149 = tpu.vector_load %arg5[%get3A_147, %get3A_148] {strides = array<i32>} : memref<64x512xf32, #tpu.memory_space<vmem>>, vector<1x16xf32>,
      %get3A_150 = vector.shape_cast %get3A_149 : vector<1x16xf32> to vector<16xf32>
      %add3A_151 = arith.addf %scan3A_136, %get3A_150 : vector<16xf32>
      %get3A_152 = arith.index_cast %scan3A_133 : i32 to index
      %get3A_153 = arith.constant 48 : index
      %get3A_154 = tpu.vector_load %arg5[%get3A_152, %get3A_153] {strides = array<i32>} : memref<64x512xf32, #tpu.memory_space<vmem>>, vector<1x16xf32>,
      %get3A_155 = vector.shape_cast %get3A_154 : vector<1x16xf32> to vector<16xf32>
      %add3A_156 = arith.addf %scan3A_137, %get3A_155 : vector<16xf32>
      %get3A_157 = arith.index_cast %scan3A_133 : i32 to index
      %get3A_158 = arith.constant 64 : index
      %get3A_159 = tpu.vector_load %arg5[%get3A_157, %get3A_158] {strides = array<i32>} : memref<64x512xf32, #tpu.memory_space<vmem>>, vector<1x16xf32>,
      %get3A_160 = vector.shape_cast %get3A_159 : vector<1x16xf32> to vector<16xf32>
      %add3A_161 = arith.addf %add3A_141, %get3A_160 : vector<16xf32>
      %get3A_162 = arith.index_cast %scan3A_133 : i32 to index
      %get3A_163 = arith.constant 80 : index
      %get3A_164 = tpu.vector_load %arg5[%get3A_162, %get3A_163] {strides = array<i32>} : memref<64x512xf32, #tpu.memory_space<vmem>>, vector<1x16xf32>,
      %get3A_165 = vector.shape_cast %get3A_164 : vector<1x16xf32> to vector<16xf32>
      %add3A_166 = arith.addf %add3A_146, %get3A_165 : vector<16xf32>
      %get3A_167 = arith.index_cast %scan3A_133 : i32 to index
      %get3A_168 = arith.constant 96 : index
      %get3A_169 = tpu.vector_load %arg5[%get3A_167, %get3A_168] {strides = array<i32>} : memref<64x512xf32, #tpu.memory_space<vmem>>, vector<1x16xf32>,
      %get3A_170 = vector.shape_cast %get3A_169 : vector<1x16xf32> to vector<16xf32>
      %add3A_171 = arith.addf %add3A_151, %get3A_170 : vector<16xf32>
      %get3A_172 = arith.index_cast %scan3A_133 : i32 to index
      %get3A_173 = arith.constant 112 : index
      %get3A_174 = tpu.vector_load %arg5[%get3A_172, %get3A_173] {strides = array<i32>} : memref<64x512xf32, #tpu.memory_space<vmem>>, vector<1x16xf32>,
      %get3A_175 = vector.shape_cast %get3A_174 : vector<1x16xf32> to vector<16xf32>
      %add3A_176 = arith.addf %add3A_156, %get3A_175 : vector<16xf32>
      %get3A_177 = arith.index_cast %scan3A_133 : i32 to index
      %get3A_178 = arith.constant 128 : index
      %get3A_179 = tpu.vector_load %arg5[%get3A_177, %get3A_178] {strides = array<i32>} : memref<64x512xf32, #tpu.memory_space<vmem>>, vector<1x16xf32>,
      %get3A_180 = vector.shape_cast %get3A_179 : vector<1x16xf32> to vector<16xf32>
      %add3A_181 = arith.addf %add3A_161, %get3A_180 : vector<16xf32>
      %get3A_182 = arith.index_cast %scan3A_133 : i32 to index
      %get3A_183 = arith.constant 144 : index
      %get3A_184 = tpu.vector_load %arg5[%get3A_182, %get3A_183] {strides = array<i32>} : memref<64x512xf32, #tpu.memory_space<vmem>>, vector<1x16xf32>,
      %get3A_185 = vector.shape_cast %get3A_184 : vector<1x16xf32> to vector<16xf32>
      %add3A_186 = arith.addf %add3A_166, %get3A_185 : vector<16xf32>
      %get3A_187 = arith.index_cast %scan3A_133 : i32 to index
      %get3A_188 = arith.constant 160 : index
      %get3A_189 = tpu.vector_load %arg5[%get3A_187, %get3A_188] {strides = array<i32>} : memref<64x512xf32, #tpu.memory_space<vmem>>, vector<1x16xf32>,
      %get3A_190 = vector.shape_cast %get3A_189 : vector<1x16xf32> to vector<16xf32>
      %add3A_191 = arith.addf %add3A_171, %get3A_190 : vector<16xf32>
      %get3A_192 = arith.index_cast %scan3A_133 : i32 to index
      %get3A_193 = arith.constant 176 : index
      %get3A_194 = tpu.vector_load %arg5[%get3A_192, %get3A_193] {strides = array<i32>} : memref<64x512xf32, #tpu.memory_space<vmem>>, vector<1x16xf32>,
      %get3A_195 = vector.shape_cast %get3A_194 : vector<1x16xf32> to vector<16xf32>
      %add3A_196 = arith.addf %add3A_176, %get3A_195 : vector<16xf32>
      %get3A_197 = arith.index_cast %scan3A_133 : i32 to index
      %get3A_198 = arith.constant 192 : index
      %get3A_199 = tpu.vector_load %arg5[%get3A_197, %get3A_198] {strides = array<i32>} : memref<64x512xf32, #tpu.memory_space<vmem>>, vector<1x16xf32>,
      %get3A_200 = vector.shape_cast %get3A_199 : vector<1x16xf32> to vector<16xf32>
      %add3A_201 = arith.addf %add3A_181, %get3A_200 : vector<16xf32>
      %get3A_202 = arith.index_cast %scan3A_133 : i32 to index
      %get3A_203 = arith.constant 208 : index
      %get3A_204 = tpu.vector_load %arg5[%get3A_202, %get3A_203] {strides = array<i32>} : memref<64x512xf32, #tpu.memory_space<vmem>>, vector<1x16xf32>,
      %get3A_205 = vector.shape_cast %get3A_204 : vector<1x16xf32> to vector<16xf32>
      %add3A_206 = arith.addf %add3A_186, %get3A_205 : vector<16xf32>
      %get3A_207 = arith.index_cast %scan3A_133 : i32 to index
      %get3A_208 = arith.constant 224 : index
      %get3A_209 = tpu.vector_load %arg5[%get3A_207, %get3A_208] {strides = array<i32>} : memref<64x512xf32, #tpu.memory_space<vmem>>, vector<1x16xf32>,
      %get3A_210 = vector.shape_cast %get3A_209 : vector<1x16xf32> to vector<16xf32>
      %add3A_211 = arith.addf %add3A_191, %get3A_210 : vector<16xf32>
      %get3A_212 = arith.index_cast %scan3A_133 : i32 to index
      %get3A_213 = arith.constant 240 : index
      %get3A_214 = tpu.vector_load %arg5[%get3A_212, %get3A_213] {strides = array<i32>} : memref<64x512xf32, #tpu.memory_space<vmem>>, vector<1x16xf32>,
      %get3A_215 = vector.shape_cast %get3A_214 : vector<1x16xf32> to vector<16xf32>
      %add3A_216 = arith.addf %add3A_196, %get3A_215 : vector<16xf32>
      %get3A_217 = arith.index_cast %scan3A_133 : i32 to index
      %get3A_218 = arith.constant 256 : index
      %get3A_219 = tpu.vector_load %arg5[%get3A_217, %get3A_218] {strides = array<i32>} : memref<64x512xf32, #tpu.memory_space<vmem>>, vector<1x16xf32>,
      %get3A_220 = vector.shape_cast %get3A_219 : vector<1x16xf32> to vector<16xf32>
      %add3A_221 = arith.addf %add3A_201, %get3A_220 : vector<16xf32>
      %get3A_222 = arith.index_cast %scan3A_133 : i32 to index
      %get3A_223 = arith.constant 272 : index
      %get3A_224 = tpu.vector_load %arg5[%get3A_222, %get3A_223] {strides = array<i32>} : memref<64x512xf32, #tpu.memory_space<vmem>>, vector<1x16xf32>,
      %get3A_225 = vector.shape_cast %get3A_224 : vector<1x16xf32> to vector<16xf32>
      %add3A_226 = arith.addf %add3A_206, %get3A_225 : vector<16xf32>
      %get3A_227 = arith.index_cast %scan3A_133 : i32 to index
      %get3A_228 = arith.constant 288 : index
      %get3A_229 = tpu.vector_load %arg5[%get3A_227, %get3A_228] {strides = array<i32>} : memref<64x512xf32, #tpu.memory_space<vmem>>, vector<1x16xf32>,
      %get3A_230 = vector.shape_cast %get3A_229 : vector<1x16xf32> to vector<16xf32>
      %add3A_231 = arith.addf %add3A_211, %get3A_230 : vector<16xf32>
      %get3A_232 = arith.index_cast %scan3A_133 : i32 to index
      %get3A_233 = arith.constant 304 : index
      %get3A_234 = tpu.vector_load %arg5[%get3A_232, %get3A_233] {strides = array<i32>} : memref<64x512xf32, #tpu.memory_space<vmem>>, vector<1x16xf32>,
      %get3A_235 = vector.shape_cast %get3A_234 : vector<1x16xf32> to vector<16xf32>
      %add3A_236 = arith.addf %add3A_216, %get3A_235 : vector<16xf32>
      %get3A_237 = arith.index_cast %scan3A_133 : i32 to index
      %get3A_238 = arith.constant 320 : index
      %get3A_239 = tpu.vector_load %arg5[%get3A_237, %get3A_238] {strides = array<i32>} : memref<64x512xf32, #tpu.memory_space<vmem>>, vector<1x16xf32>,
      %get3A_240 = vector.shape_cast %get3A_239 : vector<1x16xf32> to vector<16xf32>
      %add3A_241 = arith.addf %add3A_221, %get3A_240 : vector<16xf32>
      %get3A_242 = arith.index_cast %scan3A_133 : i32 to index
      %get3A_243 = arith.constant 336 : index
      %get3A_244 = tpu.vector_load %arg5[%get3A_242, %get3A_243] {strides = array<i32>} : memref<64x512xf32, #tpu.memory_space<vmem>>, vector<1x16xf32>,
      %get3A_245 = vector.shape_cast %get3A_244 : vector<1x16xf32> to vector<16xf32>
      %add3A_246 = arith.addf %add3A_226, %get3A_245 : vector<16xf32>
      %get3A_247 = arith.index_cast %scan3A_133 : i32 to index
      %get3A_248 = arith.constant 352 : index
      %get3A_249 = tpu.vector_load %arg5[%get3A_247, %get3A_248] {strides = array<i32>} : memref<64x512xf32, #tpu.memory_space<vmem>>, vector<1x16xf32>,
      %get3A_250 = vector.shape_cast %get3A_249 : vector<1x16xf32> to vector<16xf32>
      %add3A_251 = arith.addf %add3A_231, %get3A_250 : vector<16xf32>
      %get3A_252 = arith.index_cast %scan3A_133 : i32 to index
      %get3A_253 = arith.constant 368 : index
      %get3A_254 = tpu.vector_load %arg5[%get3A_252, %get3A_253] {strides = array<i32>} : memref<64x512xf32, #tpu.memory_space<vmem>>, vector<1x16xf32>,
      %get3A_255 = vector.shape_cast %get3A_254 : vector<1x16xf32> to vector<16xf32>
      %add3A_256 = arith.addf %add3A_236, %get3A_255 : vector<16xf32>
      %get3A_257 = arith.index_cast %scan3A_133 : i32 to index
      %get3A_258 = arith.constant 384 : index
      %get3A_259 = tpu.vector_load %arg5[%get3A_257, %get3A_258] {strides = array<i32>} : memref<64x512xf32, #tpu.memory_space<vmem>>, vector<1x16xf32>,
      %get3A_260 = vector.shape_cast %get3A_259 : vector<1x16xf32> to vector<16xf32>
      %add3A_261 = arith.addf %add3A_241, %get3A_260 : vector<16xf32>
      %get3A_262 = arith.index_cast %scan3A_133 : i32 to index
      %get3A_263 = arith.constant 400 : index
      %get3A_264 = tpu.vector_load %arg5[%get3A_262, %get3A_263] {strides = array<i32>} : memref<64x512xf32, #tpu.memory_space<vmem>>, vector<1x16xf32>,
      %get3A_265 = vector.shape_cast %get3A_264 : vector<1x16xf32> to vector<16xf32>
      %add3A_266 = arith.addf %add3A_246, %get3A_265 : vector<16xf32>
      %get3A_267 = arith.index_cast %scan3A_133 : i32 to index
      %get3A_268 = arith.constant 416 : index
      %get3A_269 = tpu.vector_load %arg5[%get3A_267, %get3A_268] {strides = array<i32>} : memref<64x512xf32, #tpu.memory_space<vmem>>, vector<1x16xf32>,
      %get3A_270 = vector.shape_cast %get3A_269 : vector<1x16xf32> to vector<16xf32>
      %add3A_271 = arith.addf %add3A_251, %get3A_270 : vector<16xf32>
      %get3A_272 = arith.index_cast %scan3A_133 : i32 to index
      %get3A_273 = arith.constant 432 : index
      %get3A_274 = tpu.vector_load %arg5[%get3A_272, %get3A_273] {strides = array<i32>} : memref<64x512xf32, #tpu.memory_space<vmem>>, vector<1x16xf32>,
      %get3A_275 = vector.shape_cast %get3A_274 : vector<1x16xf32> to vector<16xf32>
      %add3A_276 = arith.addf %add3A_256, %get3A_275 : vector<16xf32>
      %get3A_277 = arith.index_cast %scan3A_133 : i32 to index
      %get3A_278 = arith.constant 448 : index
      %get3A_279 = tpu.vector_load %arg5[%get3A_277, %get3A_278] {strides = array<i32>} : memref<64x512xf32, #tpu.memory_space<vmem>>, vector<1x16xf32>,
      %get3A_280 = vector.shape_cast %get3A_279 : vector<1x16xf32> to vector<16xf32>
      %add3A_281 = arith.addf %add3A_261, %get3A_280 : vector<16xf32>
      %get3A_282 = arith.index_cast %scan3A_133 : i32 to index
      %get3A_283 = arith.constant 464 : index
      %get3A_284 = tpu.vector_load %arg5[%get3A_282, %get3A_283] {strides = array<i32>} : memref<64x512xf32, #tpu.memory_space<vmem>>, vector<1x16xf32>,
      %get3A_285 = vector.shape_cast %get3A_284 : vector<1x16xf32> to vector<16xf32>
      %add3A_286 = arith.addf %add3A_266, %get3A_285 : vector<16xf32>
      %get3A_287 = arith.index_cast %scan3A_133 : i32 to index
      %get3A_288 = arith.constant 480 : index
      %get3A_289 = tpu.vector_load %arg5[%get3A_287, %get3A_288] {strides = array<i32>} : memref<64x512xf32, #tpu.memory_space<vmem>>, vector<1x16xf32>,
      %get3A_290 = vector.shape_cast %get3A_289 : vector<1x16xf32> to vector<16xf32>
      %add3A_291 = arith.addf %add3A_271, %get3A_290 : vector<16xf32>
      %get3A_292 = arith.index_cast %scan3A_133 : i32 to index
      %get3A_293 = arith.constant 496 : index
      %get3A_294 = tpu.vector_load %arg5[%get3A_292, %get3A_293] {strides = array<i32>} : memref<64x512xf32, #tpu.memory_space<vmem>>, vector<1x16xf32>,
      %get3A_295 = vector.shape_cast %get3A_294 : vector<1x16xf32> to vector<16xf32>
      %add3A_296 = arith.addf %add3A_276, %get3A_295 : vector<16xf32>
      scf.yield %add3A_281, %add3A_286, %add3A_291, %add3A_296 : vector<16xf32>, vector<16xf32>, vector<16xf32>, vector<16xf32>
    }
    %scan3A_36 = arith.constant 64 : i32
    %add3A_37 = arith.constant 192 : i32
    %add3A_38 = arith.addi %mul3A_2, %add3A_37 : i32
    %dma_start3A_39 = arith.constant 0 : i32
    %dma_start3A_40 = tpu.memref_slice %arg2[%add3A_38, %dma_start3A_39] : memref<16384x512xf32, #tpu.memory_space<hbm>> -> memref<64x512xf32, #tpu.memory_space<hbm>>
    %dma_start3A_41 = arith.constant 0 : i32
    %dma_start3A_42 = tpu.memref_slice %arg2[%add3A_38, %dma_start3A_41] : memref<16384x512xf32, #tpu.memory_space<hbm>> -> memref<64x512xf32, #tpu.memory_space<hbm>>
    tpu.enqueue_dma source(%dma_start3A_42 : memref<64x512xf32, #tpu.memory_space<hbm>>) target(%arg5 : memref<64x512xf32, #tpu.memory_space<vmem>>) target_semaphore(%arg8 : memref<!tpu.dma_semaphore, #tpu.memory_space<semaphore_mem>>)
    %dma_wait3A_43 = arith.constant 0 : i32
    %dma_wait3A_44 = tpu.memref_slice %arg2[%add3A_22, %dma_wait3A_43] : memref<16384x512xf32, #tpu.memory_space<hbm>> -> memref<64x512xf32, #tpu.memory_space<hbm>>
    %dma_wait3A_45 = arith.constant 0 : i32
    %dma_wait3A_46 = tpu.memref_slice %arg2[%add3A_22, %dma_wait3A_45] : memref<16384x512xf32, #tpu.memory_space<hbm>> -> memref<64x512xf32, #tpu.memory_space<hbm>>
    tpu.wait_dma2 semaphore(%arg7 : memref<!tpu.dma_semaphore, #tpu.memory_space<semaphore_mem>>) src(%dma_wait3A_46 : memref<64x512xf32, #tpu.memory_space<hbm>>) dst(%arg4 : memref<64x512xf32, #tpu.memory_space<vmem>>)
    %scan3A_47 = arith.constant 0 : i32
    %scan3A_48 = arith.constant 64 : i32
    %scan3A_49 = arith.addi %scan3A_47, %scan3A_48 : i32
    %scan3A_50 = arith.constant 1 : i32
    %scan3A_51:4 = scf.for %scan3A_133 = %scan3A_47 to %scan3A_49 step %scan3A_50 iter_args(%scan3A_134 = %scan3A_35#0, %scan3A_135 = %scan3A_35#1, %scan3A_136 = %scan3A_35#2, %scan3A_137 = %scan3A_35#3) -> (vector<16xf32>, vector<16xf32>, vector<16xf32>, vector<16xf32>)  : i32 {
      %get3A = arith.index_cast %scan3A_133 : i32 to index
      %get3A_138 = arith.constant 0 : index
      %get3A_139 = tpu.vector_load %arg4[%get3A, %get3A_138] {strides = array<i32>} : memref<64x512xf32, #tpu.memory_space<vmem>>, vector<1x16xf32>,
      %get3A_140 = vector.shape_cast %get3A_139 : vector<1x16xf32> to vector<16xf32>
      %add3A_141 = arith.addf %scan3A_134, %get3A_140 : vector<16xf32>
      %get3A_142 = arith.index_cast %scan3A_133 : i32 to index
      %get3A_143 = arith.constant 16 : index
      %get3A_144 = tpu.vector_load %arg4[%get3A_142, %get3A_143] {strides = array<i32>} : memref<64x512xf32, #tpu.memory_space<vmem>>, vector<1x16xf32>,
      %get3A_145 = vector.shape_cast %get3A_144 : vector<1x16xf32> to vector<16xf32>
      %add3A_146 = arith.addf %scan3A_135, %get3A_145 : vector<16xf32>
      %get3A_147 = arith.index_cast %scan3A_133 : i32 to index
      %get3A_148 = arith.constant 32 : index
      %get3A_149 = tpu.vector_load %arg4[%get3A_147, %get3A_148] {strides = array<i32>} : memref<64x512xf32, #tpu.memory_space<vmem>>, vector<1x16xf32>,
      %get3A_150 = vector.shape_cast %get3A_149 : vector<1x16xf32> to vector<16xf32>
      %add3A_151 = arith.addf %scan3A_136, %get3A_150 : vector<16xf32>
      %get3A_152 = arith.index_cast %scan3A_133 : i32 to index
      %get3A_153 = arith.constant 48 : index
      %get3A_154 = tpu.vector_load %arg4[%get3A_152, %get3A_153] {strides = array<i32>} : memref<64x512xf32, #tpu.memory_space<vmem>>, vector<1x16xf32>,
      %get3A_155 = vector.shape_cast %get3A_154 : vector<1x16xf32> to vector<16xf32>
      %add3A_156 = arith.addf %scan3A_137, %get3A_155 : vector<16xf32>
      %get3A_157 = arith.index_cast %scan3A_133 : i32 to index
      %get3A_158 = arith.constant 64 : index
      %get3A_159 = tpu.vector_load %arg4[%get3A_157, %get3A_158] {strides = array<i32>} : memref<64x512xf32, #tpu.memory_space<vmem>>, vector<1x16xf32>,
      %get3A_160 = vector.shape_cast %get3A_159 : vector<1x16xf32> to vector<16xf32>
      %add3A_161 = arith.addf %add3A_141, %get3A_160 : vector<16xf32>
      %get3A_162 = arith.index_cast %scan3A_133 : i32 to index
      %get3A_163 = arith.constant 80 : index
      %get3A_164 = tpu.vector_load %arg4[%get3A_162, %get3A_163] {strides = array<i32>} : memref<64x512xf32, #tpu.memory_space<vmem>>, vector<1x16xf32>,
      %get3A_165 = vector.shape_cast %get3A_164 : vector<1x16xf32> to vector<16xf32>
      %add3A_166 = arith.addf %add3A_146, %get3A_165 : vector<16xf32>
      %get3A_167 = arith.index_cast %scan3A_133 : i32 to index
      %get3A_168 = arith.constant 96 : index
      %get3A_169 = tpu.vector_load %arg4[%get3A_167, %get3A_168] {strides = array<i32>} : memref<64x512xf32, #tpu.memory_space<vmem>>, vector<1x16xf32>,
      %get3A_170 = vector.shape_cast %get3A_169 : vector<1x16xf32> to vector<16xf32>
      %add3A_171 = arith.addf %add3A_151, %get3A_170 : vector<16xf32>
      %get3A_172 = arith.index_cast %scan3A_133 : i32 to index
      %get3A_173 = arith.constant 112 : index
      %get3A_174 = tpu.vector_load %arg4[%get3A_172, %get3A_173] {strides = array<i32>} : memref<64x512xf32, #tpu.memory_space<vmem>>, vector<1x16xf32>,
      %get3A_175 = vector.shape_cast %get3A_174 : vector<1x16xf32> to vector<16xf32>
      %add3A_176 = arith.addf %add3A_156, %get3A_175 : vector<16xf32>
      %get3A_177 = arith.index_cast %scan3A_133 : i32 to index
      %get3A_178 = arith.constant 128 : index
      %get3A_179 = tpu.vector_load %arg4[%get3A_177, %get3A_178] {strides = array<i32>} : memref<64x512xf32, #tpu.memory_space<vmem>>, vector<1x16xf32>,
      %get3A_180 = vector.shape_cast %get3A_179 : vector<1x16xf32> to vector<16xf32>
      %add3A_181 = arith.addf %add3A_161, %get3A_180 : vector<16xf32>
      %get3A_182 = arith.index_cast %scan3A_133 : i32 to index
      %get3A_183 = arith.constant 144 : index
      %get3A_184 = tpu.vector_load %arg4[%get3A_182, %get3A_183] {strides = array<i32>} : memref<64x512xf32, #tpu.memory_space<vmem>>, vector<1x16xf32>,
      %get3A_185 = vector.shape_cast %get3A_184 : vector<1x16xf32> to vector<16xf32>
      %add3A_186 = arith.addf %add3A_166, %get3A_185 : vector<16xf32>
      %get3A_187 = arith.index_cast %scan3A_133 : i32 to index
      %get3A_188 = arith.constant 160 : index
      %get3A_189 = tpu.vector_load %arg4[%get3A_187, %get3A_188] {strides = array<i32>} : memref<64x512xf32, #tpu.memory_space<vmem>>, vector<1x16xf32>,
      %get3A_190 = vector.shape_cast %get3A_189 : vector<1x16xf32> to vector<16xf32>
      %add3A_191 = arith.addf %add3A_171, %get3A_190 : vector<16xf32>
      %get3A_192 = arith.index_cast %scan3A_133 : i32 to index
      %get3A_193 = arith.constant 176 : index
      %get3A_194 = tpu.vector_load %arg4[%get3A_192, %get3A_193] {strides = array<i32>} : memref<64x512xf32, #tpu.memory_space<vmem>>, vector<1x16xf32>,
      %get3A_195 = vector.shape_cast %get3A_194 : vector<1x16xf32> to vector<16xf32>
      %add3A_196 = arith.addf %add3A_176, %get3A_195 : vector<16xf32>
      %get3A_197 = arith.index_cast %scan3A_133 : i32 to index
      %get3A_198 = arith.constant 192 : index
      %get3A_199 = tpu.vector_load %arg4[%get3A_197, %get3A_198] {strides = array<i32>} : memref<64x512xf32, #tpu.memory_space<vmem>>, vector<1x16xf32>,
      %get3A_200 = vector.shape_cast %get3A_199 : vector<1x16xf32> to vector<16xf32>
      %add3A_201 = arith.addf %add3A_181, %get3A_200 : vector<16xf32>
      %get3A_202 = arith.index_cast %scan3A_133 : i32 to index
      %get3A_203 = arith.constant 208 : index
      %get3A_204 = tpu.vector_load %arg4[%get3A_202, %get3A_203] {strides = array<i32>} : memref<64x512xf32, #tpu.memory_space<vmem>>, vector<1x16xf32>,
      %get3A_205 = vector.shape_cast %get3A_204 : vector<1x16xf32> to vector<16xf32>
      %add3A_206 = arith.addf %add3A_186, %get3A_205 : vector<16xf32>
      %get3A_207 = arith.index_cast %scan3A_133 : i32 to index
      %get3A_208 = arith.constant 224 : index
      %get3A_209 = tpu.vector_load %arg4[%get3A_207, %get3A_208] {strides = array<i32>} : memref<64x512xf32, #tpu.memory_space<vmem>>, vector<1x16xf32>,
      %get3A_210 = vector.shape_cast %get3A_209 : vector<1x16xf32> to vector<16xf32>
      %add3A_211 = arith.addf %add3A_191, %get3A_210 : vector<16xf32>
      %get3A_212 = arith.index_cast %scan3A_133 : i32 to index
      %get3A_213 = arith.constant 240 : index
      %get3A_214 = tpu.vector_load %arg4[%get3A_212, %get3A_213] {strides = array<i32>} : memref<64x512xf32, #tpu.memory_space<vmem>>, vector<1x16xf32>,
      %get3A_215 = vector.shape_cast %get3A_214 : vector<1x16xf32> to vector<16xf32>
      %add3A_216 = arith.addf %add3A_196, %get3A_215 : vector<16xf32>
      %get3A_217 = arith.index_cast %scan3A_133 : i32 to index
      %get3A_218 = arith.constant 256 : index
      %get3A_219 = tpu.vector_load %arg4[%get3A_217, %get3A_218] {strides = array<i32>} : memref<64x512xf32, #tpu.memory_space<vmem>>, vector<1x16xf32>,
      %get3A_220 = vector.shape_cast %get3A_219 : vector<1x16xf32> to vector<16xf32>
      %add3A_221 = arith.addf %add3A_201, %get3A_220 : vector<16xf32>
      %get3A_222 = arith.index_cast %scan3A_133 : i32 to index
      %get3A_223 = arith.constant 272 : index
      %get3A_224 = tpu.vector_load %arg4[%get3A_222, %get3A_223] {strides = array<i32>} : memref<64x512xf32, #tpu.memory_space<vmem>>, vector<1x16xf32>,
      %get3A_225 = vector.shape_cast %get3A_224 : vector<1x16xf32> to vector<16xf32>
      %add3A_226 = arith.addf %add3A_206, %get3A_225 : vector<16xf32>
      %get3A_227 = arith.index_cast %scan3A_133 : i32 to index
      %get3A_228 = arith.constant 288 : index
      %get3A_229 = tpu.vector_load %arg4[%get3A_227, %get3A_228] {strides = array<i32>} : memref<64x512xf32, #tpu.memory_space<vmem>>, vector<1x16xf32>,
      %get3A_230 = vector.shape_cast %get3A_229 : vector<1x16xf32> to vector<16xf32>
      %add3A_231 = arith.addf %add3A_211, %get3A_230 : vector<16xf32>
      %get3A_232 = arith.index_cast %scan3A_133 : i32 to index
      %get3A_233 = arith.constant 304 : index
      %get3A_234 = tpu.vector_load %arg4[%get3A_232, %get3A_233] {strides = array<i32>} : memref<64x512xf32, #tpu.memory_space<vmem>>, vector<1x16xf32>,
      %get3A_235 = vector.shape_cast %get3A_234 : vector<1x16xf32> to vector<16xf32>
      %add3A_236 = arith.addf %add3A_216, %get3A_235 : vector<16xf32>
      %get3A_237 = arith.index_cast %scan3A_133 : i32 to index
      %get3A_238 = arith.constant 320 : index
      %get3A_239 = tpu.vector_load %arg4[%get3A_237, %get3A_238] {strides = array<i32>} : memref<64x512xf32, #tpu.memory_space<vmem>>, vector<1x16xf32>,
      %get3A_240 = vector.shape_cast %get3A_239 : vector<1x16xf32> to vector<16xf32>
      %add3A_241 = arith.addf %add3A_221, %get3A_240 : vector<16xf32>
      %get3A_242 = arith.index_cast %scan3A_133 : i32 to index
      %get3A_243 = arith.constant 336 : index
      %get3A_244 = tpu.vector_load %arg4[%get3A_242, %get3A_243] {strides = array<i32>} : memref<64x512xf32, #tpu.memory_space<vmem>>, vector<1x16xf32>,
      %get3A_245 = vector.shape_cast %get3A_244 : vector<1x16xf32> to vector<16xf32>
      %add3A_246 = arith.addf %add3A_226, %get3A_245 : vector<16xf32>
      %get3A_247 = arith.index_cast %scan3A_133 : i32 to index
      %get3A_248 = arith.constant 352 : index
      %get3A_249 = tpu.vector_load %arg4[%get3A_247, %get3A_248] {strides = array<i32>} : memref<64x512xf32, #tpu.memory_space<vmem>>, vector<1x16xf32>,
      %get3A_250 = vector.shape_cast %get3A_249 : vector<1x16xf32> to vector<16xf32>
      %add3A_251 = arith.addf %add3A_231, %get3A_250 : vector<16xf32>
      %get3A_252 = arith.index_cast %scan3A_133 : i32 to index
      %get3A_253 = arith.constant 368 : index
      %get3A_254 = tpu.vector_load %arg4[%get3A_252, %get3A_253] {strides = array<i32>} : memref<64x512xf32, #tpu.memory_space<vmem>>, vector<1x16xf32>,
      %get3A_255 = vector.shape_cast %get3A_254 : vector<1x16xf32> to vector<16xf32>
      %add3A_256 = arith.addf %add3A_236, %get3A_255 : vector<16xf32>
      %get3A_257 = arith.index_cast %scan3A_133 : i32 to index
      %get3A_258 = arith.constant 384 : index
      %get3A_259 = tpu.vector_load %arg4[%get3A_257, %get3A_258] {strides = array<i32>} : memref<64x512xf32, #tpu.memory_space<vmem>>, vector<1x16xf32>,
      %get3A_260 = vector.shape_cast %get3A_259 : vector<1x16xf32> to vector<16xf32>
      %add3A_261 = arith.addf %add3A_241, %get3A_260 : vector<16xf32>
      %get3A_262 = arith.index_cast %scan3A_133 : i32 to index
      %get3A_263 = arith.constant 400 : index
      %get3A_264 = tpu.vector_load %arg4[%get3A_262, %get3A_263] {strides = array<i32>} : memref<64x512xf32, #tpu.memory_space<vmem>>, vector<1x16xf32>,
      %get3A_265 = vector.shape_cast %get3A_264 : vector<1x16xf32> to vector<16xf32>
      %add3A_266 = arith.addf %add3A_246, %get3A_265 : vector<16xf32>
      %get3A_267 = arith.index_cast %scan3A_133 : i32 to index
      %get3A_268 = arith.constant 416 : index
      %get3A_269 = tpu.vector_load %arg4[%get3A_267, %get3A_268] {strides = array<i32>} : memref<64x512xf32, #tpu.memory_space<vmem>>, vector<1x16xf32>,
      %get3A_270 = vector.shape_cast %get3A_269 : vector<1x16xf32> to vector<16xf32>
      %add3A_271 = arith.addf %add3A_251, %get3A_270 : vector<16xf32>
      %get3A_272 = arith.index_cast %scan3A_133 : i32 to index
      %get3A_273 = arith.constant 432 : index
      %get3A_274 = tpu.vector_load %arg4[%get3A_272, %get3A_273] {strides = array<i32>} : memref<64x512xf32, #tpu.memory_space<vmem>>, vector<1x16xf32>,
      %get3A_275 = vector.shape_cast %get3A_274 : vector<1x16xf32> to vector<16xf32>
      %add3A_276 = arith.addf %add3A_256, %get3A_275 : vector<16xf32>
      %get3A_277 = arith.index_cast %scan3A_133 : i32 to index
      %get3A_278 = arith.constant 448 : index
      %get3A_279 = tpu.vector_load %arg4[%get3A_277, %get3A_278] {strides = array<i32>} : memref<64x512xf32, #tpu.memory_space<vmem>>, vector<1x16xf32>,
      %get3A_280 = vector.shape_cast %get3A_279 : vector<1x16xf32> to vector<16xf32>
      %add3A_281 = arith.addf %add3A_261, %get3A_280 : vector<16xf32>
      %get3A_282 = arith.index_cast %scan3A_133 : i32 to index
      %get3A_283 = arith.constant 464 : index
      %get3A_284 = tpu.vector_load %arg4[%get3A_282, %get3A_283] {strides = array<i32>} : memref<64x512xf32, #tpu.memory_space<vmem>>, vector<1x16xf32>,
      %get3A_285 = vector.shape_cast %get3A_284 : vector<1x16xf32> to vector<16xf32>
      %add3A_286 = arith.addf %add3A_266, %get3A_285 : vector<16xf32>
      %get3A_287 = arith.index_cast %scan3A_133 : i32 to index
      %get3A_288 = arith.constant 480 : index
      %get3A_289 = tpu.vector_load %arg4[%get3A_287, %get3A_288] {strides = array<i32>} : memref<64x512xf32, #tpu.memory_space<vmem>>, vector<1x16xf32>,
      %get3A_290 = vector.shape_cast %get3A_289 : vector<1x16xf32> to vector<16xf32>
      %add3A_291 = arith.addf %add3A_271, %get3A_290 : vector<16xf32>
      %get3A_292 = arith.index_cast %scan3A_133 : i32 to index
      %get3A_293 = arith.constant 496 : index
      %get3A_294 = tpu.vector_load %arg4[%get3A_292, %get3A_293] {strides = array<i32>} : memref<64x512xf32, #tpu.memory_space<vmem>>, vector<1x16xf32>,
      %get3A_295 = vector.shape_cast %get3A_294 : vector<1x16xf32> to vector<16xf32>
      %add3A_296 = arith.addf %add3A_276, %get3A_295 : vector<16xf32>
      scf.yield %add3A_281, %add3A_286, %add3A_291, %add3A_296 : vector<16xf32>, vector<16xf32>, vector<16xf32>, vector<16xf32>
    }
    %scan3A_52 = arith.constant 64 : i32
    %add3A_53 = arith.constant 256 : i32
    %add3A_54 = arith.addi %mul3A_2, %add3A_53 : i32
    %dma_start3A_55 = arith.constant 0 : i32
    %dma_start3A_56 = tpu.memref_slice %arg2[%add3A_54, %dma_start3A_55] : memref<16384x512xf32, #tpu.memory_space<hbm>> -> memref<64x512xf32, #tpu.memory_space<hbm>>
    %dma_start3A_57 = arith.constant 0 : i32
    %dma_start3A_58 = tpu.memref_slice %arg2[%add3A_54, %dma_start3A_57] : memref<16384x512xf32, #tpu.memory_space<hbm>> -> memref<64x512xf32, #tpu.memory_space<hbm>>
    tpu.enqueue_dma source(%dma_start3A_58 : memref<64x512xf32, #tpu.memory_space<hbm>>) target(%arg4 : memref<64x512xf32, #tpu.memory_space<vmem>>) target_semaphore(%arg7 : memref<!tpu.dma_semaphore, #tpu.memory_space<semaphore_mem>>)
    %dma_wait3A_59 = arith.constant 0 : i32
    %dma_wait3A_60 = tpu.memref_slice %arg2[%add3A_38, %dma_wait3A_59] : memref<16384x512xf32, #tpu.memory_space<hbm>> -> memref<64x512xf32, #tpu.memory_space<hbm>>
    %dma_wait3A_61 = arith.constant 0 : i32
    %dma_wait3A_62 = tpu.memref_slice %arg2[%add3A_38, %dma_wait3A_61] : memref<16384x512xf32, #tpu.memory_space<hbm>> -> memref<64x512xf32, #tpu.memory_space<hbm>>
    tpu.wait_dma2 semaphore(%arg8 : memref<!tpu.dma_semaphore, #tpu.memory_space<semaphore_mem>>) src(%dma_wait3A_62 : memref<64x512xf32, #tpu.memory_space<hbm>>) dst(%arg5 : memref<64x512xf32, #tpu.memory_space<vmem>>)
    %scan3A_63 = arith.constant 0 : i32
    %scan3A_64 = arith.constant 64 : i32
    %scan3A_65 = arith.addi %scan3A_63, %scan3A_64 : i32
    %scan3A_66 = arith.constant 1 : i32
    %scan3A_67:4 = scf.for %scan3A_133 = %scan3A_63 to %scan3A_65 step %scan3A_66 iter_args(%scan3A_134 = %scan3A_51#0, %scan3A_135 = %scan3A_51#1, %scan3A_136 = %scan3A_51#2, %scan3A_137 = %scan3A_51#3) -> (vector<16xf32>, vector<16xf32>, vector<16xf32>, vector<16xf32>)  : i32 {
      %get3A = arith.index_cast %scan3A_133 : i32 to index
      %get3A_138 = arith.constant 0 : index
      %get3A_139 = tpu.vector_load %arg5[%get3A, %get3A_138] {strides = array<i32>} : memref<64x512xf32, #tpu.memory_space<vmem>>, vector<1x16xf32>,
      %get3A_140 = vector.shape_cast %get3A_139 : vector<1x16xf32> to vector<16xf32>
      %add3A_141 = arith.addf %scan3A_134, %get3A_140 : vector<16xf32>
      %get3A_142 = arith.index_cast %scan3A_133 : i32 to index
      %get3A_143 = arith.constant 16 : index
      %get3A_144 = tpu.vector_load %arg5[%get3A_142, %get3A_143] {strides = array<i32>} : memref<64x512xf32, #tpu.memory_space<vmem>>, vector<1x16xf32>,
      %get3A_145 = vector.shape_cast %get3A_144 : vector<1x16xf32> to vector<16xf32>
      %add3A_146 = arith.addf %scan3A_135, %get3A_145 : vector<16xf32>
      %get3A_147 = arith.index_cast %scan3A_133 : i32 to index
      %get3A_148 = arith.constant 32 : index
      %get3A_149 = tpu.vector_load %arg5[%get3A_147, %get3A_148] {strides = array<i32>} : memref<64x512xf32, #tpu.memory_space<vmem>>, vector<1x16xf32>,
      %get3A_150 = vector.shape_cast %get3A_149 : vector<1x16xf32> to vector<16xf32>
      %add3A_151 = arith.addf %scan3A_136, %get3A_150 : vector<16xf32>
      %get3A_152 = arith.index_cast %scan3A_133 : i32 to index
      %get3A_153 = arith.constant 48 : index
      %get3A_154 = tpu.vector_load %arg5[%get3A_152, %get3A_153] {strides = array<i32>} : memref<64x512xf32, #tpu.memory_space<vmem>>, vector<1x16xf32>,
      %get3A_155 = vector.shape_cast %get3A_154 : vector<1x16xf32> to vector<16xf32>
      %add3A_156 = arith.addf %scan3A_137, %get3A_155 : vector<16xf32>
      %get3A_157 = arith.index_cast %scan3A_133 : i32 to index
      %get3A_158 = arith.constant 64 : index
      %get3A_159 = tpu.vector_load %arg5[%get3A_157, %get3A_158] {strides = array<i32>} : memref<64x512xf32, #tpu.memory_space<vmem>>, vector<1x16xf32>,
      %get3A_160 = vector.shape_cast %get3A_159 : vector<1x16xf32> to vector<16xf32>
      %add3A_161 = arith.addf %add3A_141, %get3A_160 : vector<16xf32>
      %get3A_162 = arith.index_cast %scan3A_133 : i32 to index
      %get3A_163 = arith.constant 80 : index
      %get3A_164 = tpu.vector_load %arg5[%get3A_162, %get3A_163] {strides = array<i32>} : memref<64x512xf32, #tpu.memory_space<vmem>>, vector<1x16xf32>,
      %get3A_165 = vector.shape_cast %get3A_164 : vector<1x16xf32> to vector<16xf32>
      %add3A_166 = arith.addf %add3A_146, %get3A_165 : vector<16xf32>
      %get3A_167 = arith.index_cast %scan3A_133 : i32 to index
      %get3A_168 = arith.constant 96 : index
      %get3A_169 = tpu.vector_load %arg5[%get3A_167, %get3A_168] {strides = array<i32>} : memref<64x512xf32, #tpu.memory_space<vmem>>, vector<1x16xf32>,
      %get3A_170 = vector.shape_cast %get3A_169 : vector<1x16xf32> to vector<16xf32>
      %add3A_171 = arith.addf %add3A_151, %get3A_170 : vector<16xf32>
      %get3A_172 = arith.index_cast %scan3A_133 : i32 to index
      %get3A_173 = arith.constant 112 : index
      %get3A_174 = tpu.vector_load %arg5[%get3A_172, %get3A_173] {strides = array<i32>} : memref<64x512xf32, #tpu.memory_space<vmem>>, vector<1x16xf32>,
      %get3A_175 = vector.shape_cast %get3A_174 : vector<1x16xf32> to vector<16xf32>
      %add3A_176 = arith.addf %add3A_156, %get3A_175 : vector<16xf32>
      %get3A_177 = arith.index_cast %scan3A_133 : i32 to index
      %get3A_178 = arith.constant 128 : index
      %get3A_179 = tpu.vector_load %arg5[%get3A_177, %get3A_178] {strides = array<i32>} : memref<64x512xf32, #tpu.memory_space<vmem>>, vector<1x16xf32>,
      %get3A_180 = vector.shape_cast %get3A_179 : vector<1x16xf32> to vector<16xf32>
      %add3A_181 = arith.addf %add3A_161, %get3A_180 : vector<16xf32>
      %get3A_182 = arith.index_cast %scan3A_133 : i32 to index
      %get3A_183 = arith.constant 144 : index
      %get3A_184 = tpu.vector_load %arg5[%get3A_182, %get3A_183] {strides = array<i32>} : memref<64x512xf32, #tpu.memory_space<vmem>>, vector<1x16xf32>,
      %get3A_185 = vector.shape_cast %get3A_184 : vector<1x16xf32> to vector<16xf32>
      %add3A_186 = arith.addf %add3A_166, %get3A_185 : vector<16xf32>
      %get3A_187 = arith.index_cast %scan3A_133 : i32 to index
      %get3A_188 = arith.constant 160 : index
      %get3A_189 = tpu.vector_load %arg5[%get3A_187, %get3A_188] {strides = array<i32>} : memref<64x512xf32, #tpu.memory_space<vmem>>, vector<1x16xf32>,
      %get3A_190 = vector.shape_cast %get3A_189 : vector<1x16xf32> to vector<16xf32>
      %add3A_191 = arith.addf %add3A_171, %get3A_190 : vector<16xf32>
      %get3A_192 = arith.index_cast %scan3A_133 : i32 to index
      %get3A_193 = arith.constant 176 : index
      %get3A_194 = tpu.vector_load %arg5[%get3A_192, %get3A_193] {strides = array<i32>} : memref<64x512xf32, #tpu.memory_space<vmem>>, vector<1x16xf32>,
      %get3A_195 = vector.shape_cast %get3A_194 : vector<1x16xf32> to vector<16xf32>
      %add3A_196 = arith.addf %add3A_176, %get3A_195 : vector<16xf32>
      %get3A_197 = arith.index_cast %scan3A_133 : i32 to index
      %get3A_198 = arith.constant 192 : index
      %get3A_199 = tpu.vector_load %arg5[%get3A_197, %get3A_198] {strides = array<i32>} : memref<64x512xf32, #tpu.memory_space<vmem>>, vector<1x16xf32>,
      %get3A_200 = vector.shape_cast %get3A_199 : vector<1x16xf32> to vector<16xf32>
      %add3A_201 = arith.addf %add3A_181, %get3A_200 : vector<16xf32>
      %get3A_202 = arith.index_cast %scan3A_133 : i32 to index
      %get3A_203 = arith.constant 208 : index
      %get3A_204 = tpu.vector_load %arg5[%get3A_202, %get3A_203] {strides = array<i32>} : memref<64x512xf32, #tpu.memory_space<vmem>>, vector<1x16xf32>,
      %get3A_205 = vector.shape_cast %get3A_204 : vector<1x16xf32> to vector<16xf32>
      %add3A_206 = arith.addf %add3A_186, %get3A_205 : vector<16xf32>
      %get3A_207 = arith.index_cast %scan3A_133 : i32 to index
      %get3A_208 = arith.constant 224 : index
      %get3A_209 = tpu.vector_load %arg5[%get3A_207, %get3A_208] {strides = array<i32>} : memref<64x512xf32, #tpu.memory_space<vmem>>, vector<1x16xf32>,
      %get3A_210 = vector.shape_cast %get3A_209 : vector<1x16xf32> to vector<16xf32>
      %add3A_211 = arith.addf %add3A_191, %get3A_210 : vector<16xf32>
      %get3A_212 = arith.index_cast %scan3A_133 : i32 to index
      %get3A_213 = arith.constant 240 : index
      %get3A_214 = tpu.vector_load %arg5[%get3A_212, %get3A_213] {strides = array<i32>} : memref<64x512xf32, #tpu.memory_space<vmem>>, vector<1x16xf32>,
      %get3A_215 = vector.shape_cast %get3A_214 : vector<1x16xf32> to vector<16xf32>
      %add3A_216 = arith.addf %add3A_196, %get3A_215 : vector<16xf32>
      %get3A_217 = arith.index_cast %scan3A_133 : i32 to index
      %get3A_218 = arith.constant 256 : index
      %get3A_219 = tpu.vector_load %arg5[%get3A_217, %get3A_218] {strides = array<i32>} : memref<64x512xf32, #tpu.memory_space<vmem>>, vector<1x16xf32>,
      %get3A_220 = vector.shape_cast %get3A_219 : vector<1x16xf32> to vector<16xf32>
      %add3A_221 = arith.addf %add3A_201, %get3A_220 : vector<16xf32>
      %get3A_222 = arith.index_cast %scan3A_133 : i32 to index
      %get3A_223 = arith.constant 272 : index
      %get3A_224 = tpu.vector_load %arg5[%get3A_222, %get3A_223] {strides = array<i32>} : memref<64x512xf32, #tpu.memory_space<vmem>>, vector<1x16xf32>,
      %get3A_225 = vector.shape_cast %get3A_224 : vector<1x16xf32> to vector<16xf32>
      %add3A_226 = arith.addf %add3A_206, %get3A_225 : vector<16xf32>
      %get3A_227 = arith.index_cast %scan3A_133 : i32 to index
      %get3A_228 = arith.constant 288 : index
      %get3A_229 = tpu.vector_load %arg5[%get3A_227, %get3A_228] {strides = array<i32>} : memref<64x512xf32, #tpu.memory_space<vmem>>, vector<1x16xf32>,
      %get3A_230 = vector.shape_cast %get3A_229 : vector<1x16xf32> to vector<16xf32>
      %add3A_231 = arith.addf %add3A_211, %get3A_230 : vector<16xf32>
      %get3A_232 = arith.index_cast %scan3A_133 : i32 to index
      %get3A_233 = arith.constant 304 : index
      %get3A_234 = tpu.vector_load %arg5[%get3A_232, %get3A_233] {strides = array<i32>} : memref<64x512xf32, #tpu.memory_space<vmem>>, vector<1x16xf32>,
      %get3A_235 = vector.shape_cast %get3A_234 : vector<1x16xf32> to vector<16xf32>
      %add3A_236 = arith.addf %add3A_216, %get3A_235 : vector<16xf32>
      %get3A_237 = arith.index_cast %scan3A_133 : i32 to index
      %get3A_238 = arith.constant 320 : index
      %get3A_239 = tpu.vector_load %arg5[%get3A_237, %get3A_238] {strides = array<i32>} : memref<64x512xf32, #tpu.memory_space<vmem>>, vector<1x16xf32>,
      %get3A_240 = vector.shape_cast %get3A_239 : vector<1x16xf32> to vector<16xf32>
      %add3A_241 = arith.addf %add3A_221, %get3A_240 : vector<16xf32>
      %get3A_242 = arith.index_cast %scan3A_133 : i32 to index
      %get3A_243 = arith.constant 336 : index
      %get3A_244 = tpu.vector_load %arg5[%get3A_242, %get3A_243] {strides = array<i32>} : memref<64x512xf32, #tpu.memory_space<vmem>>, vector<1x16xf32>,
      %get3A_245 = vector.shape_cast %get3A_244 : vector<1x16xf32> to vector<16xf32>
      %add3A_246 = arith.addf %add3A_226, %get3A_245 : vector<16xf32>
      %get3A_247 = arith.index_cast %scan3A_133 : i32 to index
      %get3A_248 = arith.constant 352 : index
      %get3A_249 = tpu.vector_load %arg5[%get3A_247, %get3A_248] {strides = array<i32>} : memref<64x512xf32, #tpu.memory_space<vmem>>, vector<1x16xf32>,
      %get3A_250 = vector.shape_cast %get3A_249 : vector<1x16xf32> to vector<16xf32>
      %add3A_251 = arith.addf %add3A_231, %get3A_250 : vector<16xf32>
      %get3A_252 = arith.index_cast %scan3A_133 : i32 to index
      %get3A_253 = arith.constant 368 : index
      %get3A_254 = tpu.vector_load %arg5[%get3A_252, %get3A_253] {strides = array<i32>} : memref<64x512xf32, #tpu.memory_space<vmem>>, vector<1x16xf32>,
      %get3A_255 = vector.shape_cast %get3A_254 : vector<1x16xf32> to vector<16xf32>
      %add3A_256 = arith.addf %add3A_236, %get3A_255 : vector<16xf32>
      %get3A_257 = arith.index_cast %scan3A_133 : i32 to index
      %get3A_258 = arith.constant 384 : index
      %get3A_259 = tpu.vector_load %arg5[%get3A_257, %get3A_258] {strides = array<i32>} : memref<64x512xf32, #tpu.memory_space<vmem>>, vector<1x16xf32>,
      %get3A_260 = vector.shape_cast %get3A_259 : vector<1x16xf32> to vector<16xf32>
      %add3A_261 = arith.addf %add3A_241, %get3A_260 : vector<16xf32>
      %get3A_262 = arith.index_cast %scan3A_133 : i32 to index
      %get3A_263 = arith.constant 400 : index
      %get3A_264 = tpu.vector_load %arg5[%get3A_262, %get3A_263] {strides = array<i32>} : memref<64x512xf32, #tpu.memory_space<vmem>>, vector<1x16xf32>,
      %get3A_265 = vector.shape_cast %get3A_264 : vector<1x16xf32> to vector<16xf32>
      %add3A_266 = arith.addf %add3A_246, %get3A_265 : vector<16xf32>
      %get3A_267 = arith.index_cast %scan3A_133 : i32 to index
      %get3A_268 = arith.constant 416 : index
      %get3A_269 = tpu.vector_load %arg5[%get3A_267, %get3A_268] {strides = array<i32>} : memref<64x512xf32, #tpu.memory_space<vmem>>, vector<1x16xf32>,
      %get3A_270 = vector.shape_cast %get3A_269 : vector<1x16xf32> to vector<16xf32>
      %add3A_271 = arith.addf %add3A_251, %get3A_270 : vector<16xf32>
      %get3A_272 = arith.index_cast %scan3A_133 : i32 to index
      %get3A_273 = arith.constant 432 : index
      %get3A_274 = tpu.vector_load %arg5[%get3A_272, %get3A_273] {strides = array<i32>} : memref<64x512xf32, #tpu.memory_space<vmem>>, vector<1x16xf32>,
      %get3A_275 = vector.shape_cast %get3A_274 : vector<1x16xf32> to vector<16xf32>
      %add3A_276 = arith.addf %add3A_256, %get3A_275 : vector<16xf32>
      %get3A_277 = arith.index_cast %scan3A_133 : i32 to index
      %get3A_278 = arith.constant 448 : index
      %get3A_279 = tpu.vector_load %arg5[%get3A_277, %get3A_278] {strides = array<i32>} : memref<64x512xf32, #tpu.memory_space<vmem>>, vector<1x16xf32>,
      %get3A_280 = vector.shape_cast %get3A_279 : vector<1x16xf32> to vector<16xf32>
      %add3A_281 = arith.addf %add3A_261, %get3A_280 : vector<16xf32>
      %get3A_282 = arith.index_cast %scan3A_133 : i32 to index
      %get3A_283 = arith.constant 464 : index
      %get3A_284 = tpu.vector_load %arg5[%get3A_282, %get3A_283] {strides = array<i32>} : memref<64x512xf32, #tpu.memory_space<vmem>>, vector<1x16xf32>,
      %get3A_285 = vector.shape_cast %get3A_284 : vector<1x16xf32> to vector<16xf32>
      %add3A_286 = arith.addf %add3A_266, %get3A_285 : vector<16xf32>
      %get3A_287 = arith.index_cast %scan3A_133 : i32 to index
      %get3A_288 = arith.constant 480 : index
      %get3A_289 = tpu.vector_load %arg5[%get3A_287, %get3A_288] {strides = array<i32>} : memref<64x512xf32, #tpu.memory_space<vmem>>, vector<1x16xf32>,
      %get3A_290 = vector.shape_cast %get3A_289 : vector<1x16xf32> to vector<16xf32>
      %add3A_291 = arith.addf %add3A_271, %get3A_290 : vector<16xf32>
      %get3A_292 = arith.index_cast %scan3A_133 : i32 to index
      %get3A_293 = arith.constant 496 : index
      %get3A_294 = tpu.vector_load %arg5[%get3A_292, %get3A_293] {strides = array<i32>} : memref<64x512xf32, #tpu.memory_space<vmem>>, vector<1x16xf32>,
      %get3A_295 = vector.shape_cast %get3A_294 : vector<1x16xf32> to vector<16xf32>
      %add3A_296 = arith.addf %add3A_276, %get3A_295 : vector<16xf32>
      scf.yield %add3A_281, %add3A_286, %add3A_291, %add3A_296 : vector<16xf32>, vector<16xf32>, vector<16xf32>, vector<16xf32>
    }
    %scan3A_68 = arith.constant 64 : i32
    %add3A_69 = arith.constant 320 : i32
    %add3A_70 = arith.addi %mul3A_2, %add3A_69 : i32
    %dma_start3A_71 = arith.constant 0 : i32
    %dma_start3A_72 = tpu.memref_slice %arg2[%add3A_70, %dma_start3A_71] : memref<16384x512xf32, #tpu.memory_space<hbm>> -> memref<64x512xf32, #tpu.memory_space<hbm>>
    %dma_start3A_73 = arith.constant 0 : i32
    %dma_start3A_74 = tpu.memref_slice %arg2[%add3A_70, %dma_start3A_73] : memref<16384x512xf32, #tpu.memory_space<hbm>> -> memref<64x512xf32, #tpu.memory_space<hbm>>
    tpu.enqueue_dma source(%dma_start3A_74 : memref<64x512xf32, #tpu.memory_space<hbm>>) target(%arg5 : memref<64x512xf32, #tpu.memory_space<vmem>>) target_semaphore(%arg8 : memref<!tpu.dma_semaphore, #tpu.memory_space<semaphore_mem>>)
    %dma_wait3A_75 = arith.constant 0 : i32
    %dma_wait3A_76 = tpu.memref_slice %arg2[%add3A_54, %dma_wait3A_75] : memref<16384x512xf32, #tpu.memory_space<hbm>> -> memref<64x512xf32, #tpu.memory_space<hbm>>
    %dma_wait3A_77 = arith.constant 0 : i32
    %dma_wait3A_78 = tpu.memref_slice %arg2[%add3A_54, %dma_wait3A_77] : memref<16384x512xf32, #tpu.memory_space<hbm>> -> memref<64x512xf32, #tpu.memory_space<hbm>>
    tpu.wait_dma2 semaphore(%arg7 : memref<!tpu.dma_semaphore, #tpu.memory_space<semaphore_mem>>) src(%dma_wait3A_78 : memref<64x512xf32, #tpu.memory_space<hbm>>) dst(%arg4 : memref<64x512xf32, #tpu.memory_space<vmem>>)
    %scan3A_79 = arith.constant 0 : i32
    %scan3A_80 = arith.constant 64 : i32
    %scan3A_81 = arith.addi %scan3A_79, %scan3A_80 : i32
    %scan3A_82 = arith.constant 1 : i32
    %scan3A_83:4 = scf.for %scan3A_133 = %scan3A_79 to %scan3A_81 step %scan3A_82 iter_args(%scan3A_134 = %scan3A_67#0, %scan3A_135 = %scan3A_67#1, %scan3A_136 = %scan3A_67#2, %scan3A_137 = %scan3A_67#3) -> (vector<16xf32>, vector<16xf32>, vector<16xf32>, vector<16xf32>)  : i32 {
      %get3A = arith.index_cast %scan3A_133 : i32 to index
      %get3A_138 = arith.constant 0 : index
      %get3A_139 = tpu.vector_load %arg4[%get3A, %get3A_138] {strides = array<i32>} : memref<64x512xf32, #tpu.memory_space<vmem>>, vector<1x16xf32>,
      %get3A_140 = vector.shape_cast %get3A_139 : vector<1x16xf32> to vector<16xf32>
      %add3A_141 = arith.addf %scan3A_134, %get3A_140 : vector<16xf32>
      %get3A_142 = arith.index_cast %scan3A_133 : i32 to index
      %get3A_143 = arith.constant 16 : index
      %get3A_144 = tpu.vector_load %arg4[%get3A_142, %get3A_143] {strides = array<i32>} : memref<64x512xf32, #tpu.memory_space<vmem>>, vector<1x16xf32>,
      %get3A_145 = vector.shape_cast %get3A_144 : vector<1x16xf32> to vector<16xf32>
      %add3A_146 = arith.addf %scan3A_135, %get3A_145 : vector<16xf32>
      %get3A_147 = arith.index_cast %scan3A_133 : i32 to index
      %get3A_148 = arith.constant 32 : index
      %get3A_149 = tpu.vector_load %arg4[%get3A_147, %get3A_148] {strides = array<i32>} : memref<64x512xf32, #tpu.memory_space<vmem>>, vector<1x16xf32>,
      %get3A_150 = vector.shape_cast %get3A_149 : vector<1x16xf32> to vector<16xf32>
      %add3A_151 = arith.addf %scan3A_136, %get3A_150 : vector<16xf32>
      %get3A_152 = arith.index_cast %scan3A_133 : i32 to index
      %get3A_153 = arith.constant 48 : index
      %get3A_154 = tpu.vector_load %arg4[%get3A_152, %get3A_153] {strides = array<i32>} : memref<64x512xf32, #tpu.memory_space<vmem>>, vector<1x16xf32>,
      %get3A_155 = vector.shape_cast %get3A_154 : vector<1x16xf32> to vector<16xf32>
      %add3A_156 = arith.addf %scan3A_137, %get3A_155 : vector<16xf32>
      %get3A_157 = arith.index_cast %scan3A_133 : i32 to index
      %get3A_158 = arith.constant 64 : index
      %get3A_159 = tpu.vector_load %arg4[%get3A_157, %get3A_158] {strides = array<i32>} : memref<64x512xf32, #tpu.memory_space<vmem>>, vector<1x16xf32>,
      %get3A_160 = vector.shape_cast %get3A_159 : vector<1x16xf32> to vector<16xf32>
      %add3A_161 = arith.addf %add3A_141, %get3A_160 : vector<16xf32>
      %get3A_162 = arith.index_cast %scan3A_133 : i32 to index
      %get3A_163 = arith.constant 80 : index
      %get3A_164 = tpu.vector_load %arg4[%get3A_162, %get3A_163] {strides = array<i32>} : memref<64x512xf32, #tpu.memory_space<vmem>>, vector<1x16xf32>,
      %get3A_165 = vector.shape_cast %get3A_164 : vector<1x16xf32> to vector<16xf32>
      %add3A_166 = arith.addf %add3A_146, %get3A_165 : vector<16xf32>
      %get3A_167 = arith.index_cast %scan3A_133 : i32 to index
      %get3A_168 = arith.constant 96 : index
      %get3A_169 = tpu.vector_load %arg4[%get3A_167, %get3A_168] {strides = array<i32>} : memref<64x512xf32, #tpu.memory_space<vmem>>, vector<1x16xf32>,
      %get3A_170 = vector.shape_cast %get3A_169 : vector<1x16xf32> to vector<16xf32>
      %add3A_171 = arith.addf %add3A_151, %get3A_170 : vector<16xf32>
      %get3A_172 = arith.index_cast %scan3A_133 : i32 to index
      %get3A_173 = arith.constant 112 : index
      %get3A_174 = tpu.vector_load %arg4[%get3A_172, %get3A_173] {strides = array<i32>} : memref<64x512xf32, #tpu.memory_space<vmem>>, vector<1x16xf32>,
      %get3A_175 = vector.shape_cast %get3A_174 : vector<1x16xf32> to vector<16xf32>
      %add3A_176 = arith.addf %add3A_156, %get3A_175 : vector<16xf32>
      %get3A_177 = arith.index_cast %scan3A_133 : i32 to index
      %get3A_178 = arith.constant 128 : index
      %get3A_179 = tpu.vector_load %arg4[%get3A_177, %get3A_178] {strides = array<i32>} : memref<64x512xf32, #tpu.memory_space<vmem>>, vector<1x16xf32>,
      %get3A_180 = vector.shape_cast %get3A_179 : vector<1x16xf32> to vector<16xf32>
      %add3A_181 = arith.addf %add3A_161, %get3A_180 : vector<16xf32>
      %get3A_182 = arith.index_cast %scan3A_133 : i32 to index
      %get3A_183 = arith.constant 144 : index
      %get3A_184 = tpu.vector_load %arg4[%get3A_182, %get3A_183] {strides = array<i32>} : memref<64x512xf32, #tpu.memory_space<vmem>>, vector<1x16xf32>,
      %get3A_185 = vector.shape_cast %get3A_184 : vector<1x16xf32> to vector<16xf32>
      %add3A_186 = arith.addf %add3A_166, %get3A_185 : vector<16xf32>
      %get3A_187 = arith.index_cast %scan3A_133 : i32 to index
      %get3A_188 = arith.constant 160 : index
      %get3A_189 = tpu.vector_load %arg4[%get3A_187, %get3A_188] {strides = array<i32>} : memref<64x512xf32, #tpu.memory_space<vmem>>, vector<1x16xf32>,
      %get3A_190 = vector.shape_cast %get3A_189 : vector<1x16xf32> to vector<16xf32>
      %add3A_191 = arith.addf %add3A_171, %get3A_190 : vector<16xf32>
      %get3A_192 = arith.index_cast %scan3A_133 : i32 to index
      %get3A_193 = arith.constant 176 : index
      %get3A_194 = tpu.vector_load %arg4[%get3A_192, %get3A_193] {strides = array<i32>} : memref<64x512xf32, #tpu.memory_space<vmem>>, vector<1x16xf32>,
      %get3A_195 = vector.shape_cast %get3A_194 : vector<1x16xf32> to vector<16xf32>
      %add3A_196 = arith.addf %add3A_176, %get3A_195 : vector<16xf32>
      %get3A_197 = arith.index_cast %scan3A_133 : i32 to index
      %get3A_198 = arith.constant 192 : index
      %get3A_199 = tpu.vector_load %arg4[%get3A_197, %get3A_198] {strides = array<i32>} : memref<64x512xf32, #tpu.memory_space<vmem>>, vector<1x16xf32>,
      %get3A_200 = vector.shape_cast %get3A_199 : vector<1x16xf32> to vector<16xf32>
      %add3A_201 = arith.addf %add3A_181, %get3A_200 : vector<16xf32>
      %get3A_202 = arith.index_cast %scan3A_133 : i32 to index
      %get3A_203 = arith.constant 208 : index
      %get3A_204 = tpu.vector_load %arg4[%get3A_202, %get3A_203] {strides = array<i32>} : memref<64x512xf32, #tpu.memory_space<vmem>>, vector<1x16xf32>,
      %get3A_205 = vector.shape_cast %get3A_204 : vector<1x16xf32> to vector<16xf32>
      %add3A_206 = arith.addf %add3A_186, %get3A_205 : vector<16xf32>
      %get3A_207 = arith.index_cast %scan3A_133 : i32 to index
      %get3A_208 = arith.constant 224 : index
      %get3A_209 = tpu.vector_load %arg4[%get3A_207, %get3A_208] {strides = array<i32>} : memref<64x512xf32, #tpu.memory_space<vmem>>, vector<1x16xf32>,
      %get3A_210 = vector.shape_cast %get3A_209 : vector<1x16xf32> to vector<16xf32>
      %add3A_211 = arith.addf %add3A_191, %get3A_210 : vector<16xf32>
      %get3A_212 = arith.index_cast %scan3A_133 : i32 to index
      %get3A_213 = arith.constant 240 : index
      %get3A_214 = tpu.vector_load %arg4[%get3A_212, %get3A_213] {strides = array<i32>} : memref<64x512xf32, #tpu.memory_space<vmem>>, vector<1x16xf32>,
      %get3A_215 = vector.shape_cast %get3A_214 : vector<1x16xf32> to vector<16xf32>
      %add3A_216 = arith.addf %add3A_196, %get3A_215 : vector<16xf32>
      %get3A_217 = arith.index_cast %scan3A_133 : i32 to index
      %get3A_218 = arith.constant 256 : index
      %get3A_219 = tpu.vector_load %arg4[%get3A_217, %get3A_218] {strides = array<i32>} : memref<64x512xf32, #tpu.memory_space<vmem>>, vector<1x16xf32>,
      %get3A_220 = vector.shape_cast %get3A_219 : vector<1x16xf32> to vector<16xf32>
      %add3A_221 = arith.addf %add3A_201, %get3A_220 : vector<16xf32>
      %get3A_222 = arith.index_cast %scan3A_133 : i32 to index
      %get3A_223 = arith.constant 272 : index
      %get3A_224 = tpu.vector_load %arg4[%get3A_222, %get3A_223] {strides = array<i32>} : memref<64x512xf32, #tpu.memory_space<vmem>>, vector<1x16xf32>,
      %get3A_225 = vector.shape_cast %get3A_224 : vector<1x16xf32> to vector<16xf32>
      %add3A_226 = arith.addf %add3A_206, %get3A_225 : vector<16xf32>
      %get3A_227 = arith.index_cast %scan3A_133 : i32 to index
      %get3A_228 = arith.constant 288 : index
      %get3A_229 = tpu.vector_load %arg4[%get3A_227, %get3A_228] {strides = array<i32>} : memref<64x512xf32, #tpu.memory_space<vmem>>, vector<1x16xf32>,
      %get3A_230 = vector.shape_cast %get3A_229 : vector<1x16xf32> to vector<16xf32>
      %add3A_231 = arith.addf %add3A_211, %get3A_230 : vector<16xf32>
      %get3A_232 = arith.index_cast %scan3A_133 : i32 to index
      %get3A_233 = arith.constant 304 : index
      %get3A_234 = tpu.vector_load %arg4[%get3A_232, %get3A_233] {strides = array<i32>} : memref<64x512xf32, #tpu.memory_space<vmem>>, vector<1x16xf32>,
      %get3A_235 = vector.shape_cast %get3A_234 : vector<1x16xf32> to vector<16xf32>
      %add3A_236 = arith.addf %add3A_216, %get3A_235 : vector<16xf32>
      %get3A_237 = arith.index_cast %scan3A_133 : i32 to index
      %get3A_238 = arith.constant 320 : index
      %get3A_239 = tpu.vector_load %arg4[%get3A_237, %get3A_238] {strides = array<i32>} : memref<64x512xf32, #tpu.memory_space<vmem>>, vector<1x16xf32>,
      %get3A_240 = vector.shape_cast %get3A_239 : vector<1x16xf32> to vector<16xf32>
      %add3A_241 = arith.addf %add3A_221, %get3A_240 : vector<16xf32>
      %get3A_242 = arith.index_cast %scan3A_133 : i32 to index
      %get3A_243 = arith.constant 336 : index
      %get3A_244 = tpu.vector_load %arg4[%get3A_242, %get3A_243] {strides = array<i32>} : memref<64x512xf32, #tpu.memory_space<vmem>>, vector<1x16xf32>,
      %get3A_245 = vector.shape_cast %get3A_244 : vector<1x16xf32> to vector<16xf32>
      %add3A_246 = arith.addf %add3A_226, %get3A_245 : vector<16xf32>
      %get3A_247 = arith.index_cast %scan3A_133 : i32 to index
      %get3A_248 = arith.constant 352 : index
      %get3A_249 = tpu.vector_load %arg4[%get3A_247, %get3A_248] {strides = array<i32>} : memref<64x512xf32, #tpu.memory_space<vmem>>, vector<1x16xf32>,
      %get3A_250 = vector.shape_cast %get3A_249 : vector<1x16xf32> to vector<16xf32>
      %add3A_251 = arith.addf %add3A_231, %get3A_250 : vector<16xf32>
      %get3A_252 = arith.index_cast %scan3A_133 : i32 to index
      %get3A_253 = arith.constant 368 : index
      %get3A_254 = tpu.vector_load %arg4[%get3A_252, %get3A_253] {strides = array<i32>} : memref<64x512xf32, #tpu.memory_space<vmem>>, vector<1x16xf32>,
      %get3A_255 = vector.shape_cast %get3A_254 : vector<1x16xf32> to vector<16xf32>
      %add3A_256 = arith.addf %add3A_236, %get3A_255 : vector<16xf32>
      %get3A_257 = arith.index_cast %scan3A_133 : i32 to index
      %get3A_258 = arith.constant 384 : index
      %get3A_259 = tpu.vector_load %arg4[%get3A_257, %get3A_258] {strides = array<i32>} : memref<64x512xf32, #tpu.memory_space<vmem>>, vector<1x16xf32>,
      %get3A_260 = vector.shape_cast %get3A_259 : vector<1x16xf32> to vector<16xf32>
      %add3A_261 = arith.addf %add3A_241, %get3A_260 : vector<16xf32>
      %get3A_262 = arith.index_cast %scan3A_133 : i32 to index
      %get3A_263 = arith.constant 400 : index
      %get3A_264 = tpu.vector_load %arg4[%get3A_262, %get3A_263] {strides = array<i32>} : memref<64x512xf32, #tpu.memory_space<vmem>>, vector<1x16xf32>,
      %get3A_265 = vector.shape_cast %get3A_264 : vector<1x16xf32> to vector<16xf32>
      %add3A_266 = arith.addf %add3A_246, %get3A_265 : vector<16xf32>
      %get3A_267 = arith.index_cast %scan3A_133 : i32 to index
      %get3A_268 = arith.constant 416 : index
      %get3A_269 = tpu.vector_load %arg4[%get3A_267, %get3A_268] {strides = array<i32>} : memref<64x512xf32, #tpu.memory_space<vmem>>, vector<1x16xf32>,
      %get3A_270 = vector.shape_cast %get3A_269 : vector<1x16xf32> to vector<16xf32>
      %add3A_271 = arith.addf %add3A_251, %get3A_270 : vector<16xf32>
      %get3A_272 = arith.index_cast %scan3A_133 : i32 to index
      %get3A_273 = arith.constant 432 : index
      %get3A_274 = tpu.vector_load %arg4[%get3A_272, %get3A_273] {strides = array<i32>} : memref<64x512xf32, #tpu.memory_space<vmem>>, vector<1x16xf32>,
      %get3A_275 = vector.shape_cast %get3A_274 : vector<1x16xf32> to vector<16xf32>
      %add3A_276 = arith.addf %add3A_256, %get3A_275 : vector<16xf32>
      %get3A_277 = arith.index_cast %scan3A_133 : i32 to index
      %get3A_278 = arith.constant 448 : index
      %get3A_279 = tpu.vector_load %arg4[%get3A_277, %get3A_278] {strides = array<i32>} : memref<64x512xf32, #tpu.memory_space<vmem>>, vector<1x16xf32>,
      %get3A_280 = vector.shape_cast %get3A_279 : vector<1x16xf32> to vector<16xf32>
      %add3A_281 = arith.addf %add3A_261, %get3A_280 : vector<16xf32>
      %get3A_282 = arith.index_cast %scan3A_133 : i32 to index
      %get3A_283 = arith.constant 464 : index
      %get3A_284 = tpu.vector_load %arg4[%get3A_282, %get3A_283] {strides = array<i32>} : memref<64x512xf32, #tpu.memory_space<vmem>>, vector<1x16xf32>,
      %get3A_285 = vector.shape_cast %get3A_284 : vector<1x16xf32> to vector<16xf32>
      %add3A_286 = arith.addf %add3A_266, %get3A_285 : vector<16xf32>
      %get3A_287 = arith.index_cast %scan3A_133 : i32 to index
      %get3A_288 = arith.constant 480 : index
      %get3A_289 = tpu.vector_load %arg4[%get3A_287, %get3A_288] {strides = array<i32>} : memref<64x512xf32, #tpu.memory_space<vmem>>, vector<1x16xf32>,
      %get3A_290 = vector.shape_cast %get3A_289 : vector<1x16xf32> to vector<16xf32>
      %add3A_291 = arith.addf %add3A_271, %get3A_290 : vector<16xf32>
      %get3A_292 = arith.index_cast %scan3A_133 : i32 to index
      %get3A_293 = arith.constant 496 : index
      %get3A_294 = tpu.vector_load %arg4[%get3A_292, %get3A_293] {strides = array<i32>} : memref<64x512xf32, #tpu.memory_space<vmem>>, vector<1x16xf32>,
      %get3A_295 = vector.shape_cast %get3A_294 : vector<1x16xf32> to vector<16xf32>
      %add3A_296 = arith.addf %add3A_276, %get3A_295 : vector<16xf32>
      scf.yield %add3A_281, %add3A_286, %add3A_291, %add3A_296 : vector<16xf32>, vector<16xf32>, vector<16xf32>, vector<16xf32>
    }
    %scan3A_84 = arith.constant 64 : i32
    %add3A_85 = arith.constant 384 : i32
    %add3A_86 = arith.addi %mul3A_2, %add3A_85 : i32
    %dma_start3A_87 = arith.constant 0 : i32
    %dma_start3A_88 = tpu.memref_slice %arg2[%add3A_86, %dma_start3A_87] : memref<16384x512xf32, #tpu.memory_space<hbm>> -> memref<64x512xf32, #tpu.memory_space<hbm>>
    %dma_start3A_89 = arith.constant 0 : i32
    %dma_start3A_90 = tpu.memref_slice %arg2[%add3A_86, %dma_start3A_89] : memref<16384x512xf32, #tpu.memory_space<hbm>> -> memref<64x512xf32, #tpu.memory_space<hbm>>
    tpu.enqueue_dma source(%dma_start3A_90 : memref<64x512xf32, #tpu.memory_space<hbm>>) target(%arg4 : memref<64x512xf32, #tpu.memory_space<vmem>>) target_semaphore(%arg7 : memref<!tpu.dma_semaphore, #tpu.memory_space<semaphore_mem>>)
    %dma_wait3A_91 = arith.constant 0 : i32
    %dma_wait3A_92 = tpu.memref_slice %arg2[%add3A_70, %dma_wait3A_91] : memref<16384x512xf32, #tpu.memory_space<hbm>> -> memref<64x512xf32, #tpu.memory_space<hbm>>
    %dma_wait3A_93 = arith.constant 0 : i32
    %dma_wait3A_94 = tpu.memref_slice %arg2[%add3A_70, %dma_wait3A_93] : memref<16384x512xf32, #tpu.memory_space<hbm>> -> memref<64x512xf32, #tpu.memory_space<hbm>>
    tpu.wait_dma2 semaphore(%arg8 : memref<!tpu.dma_semaphore, #tpu.memory_space<semaphore_mem>>) src(%dma_wait3A_94 : memref<64x512xf32, #tpu.memory_space<hbm>>) dst(%arg5 : memref<64x512xf32, #tpu.memory_space<vmem>>)
    %scan3A_95 = arith.constant 0 : i32
    %scan3A_96 = arith.constant 64 : i32
    %scan3A_97 = arith.addi %scan3A_95, %scan3A_96 : i32
    %scan3A_98 = arith.constant 1 : i32
    %scan3A_99:4 = scf.for %scan3A_133 = %scan3A_95 to %scan3A_97 step %scan3A_98 iter_args(%scan3A_134 = %scan3A_83#0, %scan3A_135 = %scan3A_83#1, %scan3A_136 = %scan3A_83#2, %scan3A_137 = %scan3A_83#3) -> (vector<16xf32>, vector<16xf32>, vector<16xf32>, vector<16xf32>)  : i32 {
      %get3A = arith.index_cast %scan3A_133 : i32 to index
      %get3A_138 = arith.constant 0 : index
      %get3A_139 = tpu.vector_load %arg5[%get3A, %get3A_138] {strides = array<i32>} : memref<64x512xf32, #tpu.memory_space<vmem>>, vector<1x16xf32>,
      %get3A_140 = vector.shape_cast %get3A_139 : vector<1x16xf32> to vector<16xf32>
      %add3A_141 = arith.addf %scan3A_134, %get3A_140 : vector<16xf32>
      %get3A_142 = arith.index_cast %scan3A_133 : i32 to index
      %get3A_143 = arith.constant 16 : index
      %get3A_144 = tpu.vector_load %arg5[%get3A_142, %get3A_143] {strides = array<i32>} : memref<64x512xf32, #tpu.memory_space<vmem>>, vector<1x16xf32>,
      %get3A_145 = vector.shape_cast %get3A_144 : vector<1x16xf32> to vector<16xf32>
      %add3A_146 = arith.addf %scan3A_135, %get3A_145 : vector<16xf32>
      %get3A_147 = arith.index_cast %scan3A_133 : i32 to index
      %get3A_148 = arith.constant 32 : index
      %get3A_149 = tpu.vector_load %arg5[%get3A_147, %get3A_148] {strides = array<i32>} : memref<64x512xf32, #tpu.memory_space<vmem>>, vector<1x16xf32>,
      %get3A_150 = vector.shape_cast %get3A_149 : vector<1x16xf32> to vector<16xf32>
      %add3A_151 = arith.addf %scan3A_136, %get3A_150 : vector<16xf32>
      %get3A_152 = arith.index_cast %scan3A_133 : i32 to index
      %get3A_153 = arith.constant 48 : index
      %get3A_154 = tpu.vector_load %arg5[%get3A_152, %get3A_153] {strides = array<i32>} : memref<64x512xf32, #tpu.memory_space<vmem>>, vector<1x16xf32>,
      %get3A_155 = vector.shape_cast %get3A_154 : vector<1x16xf32> to vector<16xf32>
      %add3A_156 = arith.addf %scan3A_137, %get3A_155 : vector<16xf32>
      %get3A_157 = arith.index_cast %scan3A_133 : i32 to index
      %get3A_158 = arith.constant 64 : index
      %get3A_159 = tpu.vector_load %arg5[%get3A_157, %get3A_158] {strides = array<i32>} : memref<64x512xf32, #tpu.memory_space<vmem>>, vector<1x16xf32>,
      %get3A_160 = vector.shape_cast %get3A_159 : vector<1x16xf32> to vector<16xf32>
      %add3A_161 = arith.addf %add3A_141, %get3A_160 : vector<16xf32>
      %get3A_162 = arith.index_cast %scan3A_133 : i32 to index
      %get3A_163 = arith.constant 80 : index
      %get3A_164 = tpu.vector_load %arg5[%get3A_162, %get3A_163] {strides = array<i32>} : memref<64x512xf32, #tpu.memory_space<vmem>>, vector<1x16xf32>,
      %get3A_165 = vector.shape_cast %get3A_164 : vector<1x16xf32> to vector<16xf32>
      %add3A_166 = arith.addf %add3A_146, %get3A_165 : vector<16xf32>
      %get3A_167 = arith.index_cast %scan3A_133 : i32 to index
      %get3A_168 = arith.constant 96 : index
      %get3A_169 = tpu.vector_load %arg5[%get3A_167, %get3A_168] {strides = array<i32>} : memref<64x512xf32, #tpu.memory_space<vmem>>, vector<1x16xf32>,
      %get3A_170 = vector.shape_cast %get3A_169 : vector<1x16xf32> to vector<16xf32>
      %add3A_171 = arith.addf %add3A_151, %get3A_170 : vector<16xf32>
      %get3A_172 = arith.index_cast %scan3A_133 : i32 to index
      %get3A_173 = arith.constant 112 : index
      %get3A_174 = tpu.vector_load %arg5[%get3A_172, %get3A_173] {strides = array<i32>} : memref<64x512xf32, #tpu.memory_space<vmem>>, vector<1x16xf32>,
      %get3A_175 = vector.shape_cast %get3A_174 : vector<1x16xf32> to vector<16xf32>
      %add3A_176 = arith.addf %add3A_156, %get3A_175 : vector<16xf32>
      %get3A_177 = arith.index_cast %scan3A_133 : i32 to index
      %get3A_178 = arith.constant 128 : index
      %get3A_179 = tpu.vector_load %arg5[%get3A_177, %get3A_178] {strides = array<i32>} : memref<64x512xf32, #tpu.memory_space<vmem>>, vector<1x16xf32>,
      %get3A_180 = vector.shape_cast %get3A_179 : vector<1x16xf32> to vector<16xf32>
      %add3A_181 = arith.addf %add3A_161, %get3A_180 : vector<16xf32>
      %get3A_182 = arith.index_cast %scan3A_133 : i32 to index
      %get3A_183 = arith.constant 144 : index
      %get3A_184 = tpu.vector_load %arg5[%get3A_182, %get3A_183] {strides = array<i32>} : memref<64x512xf32, #tpu.memory_space<vmem>>, vector<1x16xf32>,
      %get3A_185 = vector.shape_cast %get3A_184 : vector<1x16xf32> to vector<16xf32>
      %add3A_186 = arith.addf %add3A_166, %get3A_185 : vector<16xf32>
      %get3A_187 = arith.index_cast %scan3A_133 : i32 to index
      %get3A_188 = arith.constant 160 : index
      %get3A_189 = tpu.vector_load %arg5[%get3A_187, %get3A_188] {strides = array<i32>} : memref<64x512xf32, #tpu.memory_space<vmem>>, vector<1x16xf32>,
      %get3A_190 = vector.shape_cast %get3A_189 : vector<1x16xf32> to vector<16xf32>
      %add3A_191 = arith.addf %add3A_171, %get3A_190 : vector<16xf32>
      %get3A_192 = arith.index_cast %scan3A_133 : i32 to index
      %get3A_193 = arith.constant 176 : index
      %get3A_194 = tpu.vector_load %arg5[%get3A_192, %get3A_193] {strides = array<i32>} : memref<64x512xf32, #tpu.memory_space<vmem>>, vector<1x16xf32>,
      %get3A_195 = vector.shape_cast %get3A_194 : vector<1x16xf32> to vector<16xf32>
      %add3A_196 = arith.addf %add3A_176, %get3A_195 : vector<16xf32>
      %get3A_197 = arith.index_cast %scan3A_133 : i32 to index
      %get3A_198 = arith.constant 192 : index
      %get3A_199 = tpu.vector_load %arg5[%get3A_197, %get3A_198] {strides = array<i32>} : memref<64x512xf32, #tpu.memory_space<vmem>>, vector<1x16xf32>,
      %get3A_200 = vector.shape_cast %get3A_199 : vector<1x16xf32> to vector<16xf32>
      %add3A_201 = arith.addf %add3A_181, %get3A_200 : vector<16xf32>
      %get3A_202 = arith.index_cast %scan3A_133 : i32 to index
      %get3A_203 = arith.constant 208 : index
      %get3A_204 = tpu.vector_load %arg5[%get3A_202, %get3A_203] {strides = array<i32>} : memref<64x512xf32, #tpu.memory_space<vmem>>, vector<1x16xf32>,
      %get3A_205 = vector.shape_cast %get3A_204 : vector<1x16xf32> to vector<16xf32>
      %add3A_206 = arith.addf %add3A_186, %get3A_205 : vector<16xf32>
      %get3A_207 = arith.index_cast %scan3A_133 : i32 to index
      %get3A_208 = arith.constant 224 : index
      %get3A_209 = tpu.vector_load %arg5[%get3A_207, %get3A_208] {strides = array<i32>} : memref<64x512xf32, #tpu.memory_space<vmem>>, vector<1x16xf32>,
      %get3A_210 = vector.shape_cast %get3A_209 : vector<1x16xf32> to vector<16xf32>
      %add3A_211 = arith.addf %add3A_191, %get3A_210 : vector<16xf32>
      %get3A_212 = arith.index_cast %scan3A_133 : i32 to index
      %get3A_213 = arith.constant 240 : index
      %get3A_214 = tpu.vector_load %arg5[%get3A_212, %get3A_213] {strides = array<i32>} : memref<64x512xf32, #tpu.memory_space<vmem>>, vector<1x16xf32>,
      %get3A_215 = vector.shape_cast %get3A_214 : vector<1x16xf32> to vector<16xf32>
      %add3A_216 = arith.addf %add3A_196, %get3A_215 : vector<16xf32>
      %get3A_217 = arith.index_cast %scan3A_133 : i32 to index
      %get3A_218 = arith.constant 256 : index
      %get3A_219 = tpu.vector_load %arg5[%get3A_217, %get3A_218] {strides = array<i32>} : memref<64x512xf32, #tpu.memory_space<vmem>>, vector<1x16xf32>,
      %get3A_220 = vector.shape_cast %get3A_219 : vector<1x16xf32> to vector<16xf32>
      %add3A_221 = arith.addf %add3A_201, %get3A_220 : vector<16xf32>
      %get3A_222 = arith.index_cast %scan3A_133 : i32 to index
      %get3A_223 = arith.constant 272 : index
      %get3A_224 = tpu.vector_load %arg5[%get3A_222, %get3A_223] {strides = array<i32>} : memref<64x512xf32, #tpu.memory_space<vmem>>, vector<1x16xf32>,
      %get3A_225 = vector.shape_cast %get3A_224 : vector<1x16xf32> to vector<16xf32>
      %add3A_226 = arith.addf %add3A_206, %get3A_225 : vector<16xf32>
      %get3A_227 = arith.index_cast %scan3A_133 : i32 to index
      %get3A_228 = arith.constant 288 : index
      %get3A_229 = tpu.vector_load %arg5[%get3A_227, %get3A_228] {strides = array<i32>} : memref<64x512xf32, #tpu.memory_space<vmem>>, vector<1x16xf32>,
      %get3A_230 = vector.shape_cast %get3A_229 : vector<1x16xf32> to vector<16xf32>
      %add3A_231 = arith.addf %add3A_211, %get3A_230 : vector<16xf32>
      %get3A_232 = arith.index_cast %scan3A_133 : i32 to index
      %get3A_233 = arith.constant 304 : index
      %get3A_234 = tpu.vector_load %arg5[%get3A_232, %get3A_233] {strides = array<i32>} : memref<64x512xf32, #tpu.memory_space<vmem>>, vector<1x16xf32>,
      %get3A_235 = vector.shape_cast %get3A_234 : vector<1x16xf32> to vector<16xf32>
      %add3A_236 = arith.addf %add3A_216, %get3A_235 : vector<16xf32>
      %get3A_237 = arith.index_cast %scan3A_133 : i32 to index
      %get3A_238 = arith.constant 320 : index
      %get3A_239 = tpu.vector_load %arg5[%get3A_237, %get3A_238] {strides = array<i32>} : memref<64x512xf32, #tpu.memory_space<vmem>>, vector<1x16xf32>,
      %get3A_240 = vector.shape_cast %get3A_239 : vector<1x16xf32> to vector<16xf32>
      %add3A_241 = arith.addf %add3A_221, %get3A_240 : vector<16xf32>
      %get3A_242 = arith.index_cast %scan3A_133 : i32 to index
      %get3A_243 = arith.constant 336 : index
      %get3A_244 = tpu.vector_load %arg5[%get3A_242, %get3A_243] {strides = array<i32>} : memref<64x512xf32, #tpu.memory_space<vmem>>, vector<1x16xf32>,
      %get3A_245 = vector.shape_cast %get3A_244 : vector<1x16xf32> to vector<16xf32>
      %add3A_246 = arith.addf %add3A_226, %get3A_245 : vector<16xf32>
      %get3A_247 = arith.index_cast %scan3A_133 : i32 to index
      %get3A_248 = arith.constant 352 : index
      %get3A_249 = tpu.vector_load %arg5[%get3A_247, %get3A_248] {strides = array<i32>} : memref<64x512xf32, #tpu.memory_space<vmem>>, vector<1x16xf32>,
      %get3A_250 = vector.shape_cast %get3A_249 : vector<1x16xf32> to vector<16xf32>
      %add3A_251 = arith.addf %add3A_231, %get3A_250 : vector<16xf32>
      %get3A_252 = arith.index_cast %scan3A_133 : i32 to index
      %get3A_253 = arith.constant 368 : index
      %get3A_254 = tpu.vector_load %arg5[%get3A_252, %get3A_253] {strides = array<i32>} : memref<64x512xf32, #tpu.memory_space<vmem>>, vector<1x16xf32>,
      %get3A_255 = vector.shape_cast %get3A_254 : vector<1x16xf32> to vector<16xf32>
      %add3A_256 = arith.addf %add3A_236, %get3A_255 : vector<16xf32>
      %get3A_257 = arith.index_cast %scan3A_133 : i32 to index
      %get3A_258 = arith.constant 384 : index
      %get3A_259 = tpu.vector_load %arg5[%get3A_257, %get3A_258] {strides = array<i32>} : memref<64x512xf32, #tpu.memory_space<vmem>>, vector<1x16xf32>,
      %get3A_260 = vector.shape_cast %get3A_259 : vector<1x16xf32> to vector<16xf32>
      %add3A_261 = arith.addf %add3A_241, %get3A_260 : vector<16xf32>
      %get3A_262 = arith.index_cast %scan3A_133 : i32 to index
      %get3A_263 = arith.constant 400 : index
      %get3A_264 = tpu.vector_load %arg5[%get3A_262, %get3A_263] {strides = array<i32>} : memref<64x512xf32, #tpu.memory_space<vmem>>, vector<1x16xf32>,
      %get3A_265 = vector.shape_cast %get3A_264 : vector<1x16xf32> to vector<16xf32>
      %add3A_266 = arith.addf %add3A_246, %get3A_265 : vector<16xf32>
      %get3A_267 = arith.index_cast %scan3A_133 : i32 to index
      %get3A_268 = arith.constant 416 : index
      %get3A_269 = tpu.vector_load %arg5[%get3A_267, %get3A_268] {strides = array<i32>} : memref<64x512xf32, #tpu.memory_space<vmem>>, vector<1x16xf32>,
      %get3A_270 = vector.shape_cast %get3A_269 : vector<1x16xf32> to vector<16xf32>
      %add3A_271 = arith.addf %add3A_251, %get3A_270 : vector<16xf32>
      %get3A_272 = arith.index_cast %scan3A_133 : i32 to index
      %get3A_273 = arith.constant 432 : index
      %get3A_274 = tpu.vector_load %arg5[%get3A_272, %get3A_273] {strides = array<i32>} : memref<64x512xf32, #tpu.memory_space<vmem>>, vector<1x16xf32>,
      %get3A_275 = vector.shape_cast %get3A_274 : vector<1x16xf32> to vector<16xf32>
      %add3A_276 = arith.addf %add3A_256, %get3A_275 : vector<16xf32>
      %get3A_277 = arith.index_cast %scan3A_133 : i32 to index
      %get3A_278 = arith.constant 448 : index
      %get3A_279 = tpu.vector_load %arg5[%get3A_277, %get3A_278] {strides = array<i32>} : memref<64x512xf32, #tpu.memory_space<vmem>>, vector<1x16xf32>,
      %get3A_280 = vector.shape_cast %get3A_279 : vector<1x16xf32> to vector<16xf32>
      %add3A_281 = arith.addf %add3A_261, %get3A_280 : vector<16xf32>
      %get3A_282 = arith.index_cast %scan3A_133 : i32 to index
      %get3A_283 = arith.constant 464 : index
      %get3A_284 = tpu.vector_load %arg5[%get3A_282, %get3A_283] {strides = array<i32>} : memref<64x512xf32, #tpu.memory_space<vmem>>, vector<1x16xf32>,
      %get3A_285 = vector.shape_cast %get3A_284 : vector<1x16xf32> to vector<16xf32>
      %add3A_286 = arith.addf %add3A_266, %get3A_285 : vector<16xf32>
      %get3A_287 = arith.index_cast %scan3A_133 : i32 to index
      %get3A_288 = arith.constant 480 : index
      %get3A_289 = tpu.vector_load %arg5[%get3A_287, %get3A_288] {strides = array<i32>} : memref<64x512xf32, #tpu.memory_space<vmem>>, vector<1x16xf32>,
      %get3A_290 = vector.shape_cast %get3A_289 : vector<1x16xf32> to vector<16xf32>
      %add3A_291 = arith.addf %add3A_271, %get3A_290 : vector<16xf32>
      %get3A_292 = arith.index_cast %scan3A_133 : i32 to index
      %get3A_293 = arith.constant 496 : index
      %get3A_294 = tpu.vector_load %arg5[%get3A_292, %get3A_293] {strides = array<i32>} : memref<64x512xf32, #tpu.memory_space<vmem>>, vector<1x16xf32>,
      %get3A_295 = vector.shape_cast %get3A_294 : vector<1x16xf32> to vector<16xf32>
      %add3A_296 = arith.addf %add3A_276, %get3A_295 : vector<16xf32>
      scf.yield %add3A_281, %add3A_286, %add3A_291, %add3A_296 : vector<16xf32>, vector<16xf32>, vector<16xf32>, vector<16xf32>
    }
    %scan3A_100 = arith.constant 64 : i32
    %add3A_101 = arith.constant 448 : i32
    %add3A_102 = arith.addi %mul3A_2, %add3A_101 : i32
    %dma_start3A_103 = arith.constant 0 : i32
    %dma_start3A_104 = tpu.memref_slice %arg2[%add3A_102, %dma_start3A_103] : memref<16384x512xf32, #tpu.memory_space<hbm>> -> memref<64x512xf32, #tpu.memory_space<hbm>>
    %dma_start3A_105 = arith.constant 0 : i32
    %dma_start3A_106 = tpu.memref_slice %arg2[%add3A_102, %dma_start3A_105] : memref<16384x512xf32, #tpu.memory_space<hbm>> -> memref<64x512xf32, #tpu.memory_space<hbm>>
    tpu.enqueue_dma source(%dma_start3A_106 : memref<64x512xf32, #tpu.memory_space<hbm>>) target(%arg5 : memref<64x512xf32, #tpu.memory_space<vmem>>) target_semaphore(%arg8 : memref<!tpu.dma_semaphore, #tpu.memory_space<semaphore_mem>>)
    %dma_wait3A_107 = arith.constant 0 : i32
    %dma_wait3A_108 = tpu.memref_slice %arg2[%add3A_86, %dma_wait3A_107] : memref<16384x512xf32, #tpu.memory_space<hbm>> -> memref<64x512xf32, #tpu.memory_space<hbm>>
    %dma_wait3A_109 = arith.constant 0 : i32
    %dma_wait3A_110 = tpu.memref_slice %arg2[%add3A_86, %dma_wait3A_109] : memref<16384x512xf32, #tpu.memory_space<hbm>> -> memref<64x512xf32, #tpu.memory_space<hbm>>
    tpu.wait_dma2 semaphore(%arg7 : memref<!tpu.dma_semaphore, #tpu.memory_space<semaphore_mem>>) src(%dma_wait3A_110 : memref<64x512xf32, #tpu.memory_space<hbm>>) dst(%arg4 : memref<64x512xf32, #tpu.memory_space<vmem>>)
    %scan3A_111 = arith.constant 0 : i32
    %scan3A_112 = arith.constant 64 : i32
    %scan3A_113 = arith.addi %scan3A_111, %scan3A_112 : i32
    %scan3A_114 = arith.constant 1 : i32
    %scan3A_115:4 = scf.for %scan3A_133 = %scan3A_111 to %scan3A_113 step %scan3A_114 iter_args(%scan3A_134 = %scan3A_99#0, %scan3A_135 = %scan3A_99#1, %scan3A_136 = %scan3A_99#2, %scan3A_137 = %scan3A_99#3) -> (vector<16xf32>, vector<16xf32>, vector<16xf32>, vector<16xf32>)  : i32 {
      %get3A = arith.index_cast %scan3A_133 : i32 to index
      %get3A_138 = arith.constant 0 : index
      %get3A_139 = tpu.vector_load %arg4[%get3A, %get3A_138] {strides = array<i32>} : memref<64x512xf32, #tpu.memory_space<vmem>>, vector<1x16xf32>,
      %get3A_140 = vector.shape_cast %get3A_139 : vector<1x16xf32> to vector<16xf32>
      %add3A_141 = arith.addf %scan3A_134, %get3A_140 : vector<16xf32>
      %get3A_142 = arith.index_cast %scan3A_133 : i32 to index
      %get3A_143 = arith.constant 16 : index
      %get3A_144 = tpu.vector_load %arg4[%get3A_142, %get3A_143] {strides = array<i32>} : memref<64x512xf32, #tpu.memory_space<vmem>>, vector<1x16xf32>,
      %get3A_145 = vector.shape_cast %get3A_144 : vector<1x16xf32> to vector<16xf32>
      %add3A_146 = arith.addf %scan3A_135, %get3A_145 : vector<16xf32>
      %get3A_147 = arith.index_cast %scan3A_133 : i32 to index
      %get3A_148 = arith.constant 32 : index
      %get3A_149 = tpu.vector_load %arg4[%get3A_147, %get3A_148] {strides = array<i32>} : memref<64x512xf32, #tpu.memory_space<vmem>>, vector<1x16xf32>,
      %get3A_150 = vector.shape_cast %get3A_149 : vector<1x16xf32> to vector<16xf32>
      %add3A_151 = arith.addf %scan3A_136, %get3A_150 : vector<16xf32>
      %get3A_152 = arith.index_cast %scan3A_133 : i32 to index
      %get3A_153 = arith.constant 48 : index
      %get3A_154 = tpu.vector_load %arg4[%get3A_152, %get3A_153] {strides = array<i32>} : memref<64x512xf32, #tpu.memory_space<vmem>>, vector<1x16xf32>,
      %get3A_155 = vector.shape_cast %get3A_154 : vector<1x16xf32> to vector<16xf32>
      %add3A_156 = arith.addf %scan3A_137, %get3A_155 : vector<16xf32>
      %get3A_157 = arith.index_cast %scan3A_133 : i32 to index
      %get3A_158 = arith.constant 64 : index
      %get3A_159 = tpu.vector_load %arg4[%get3A_157, %get3A_158] {strides = array<i32>} : memref<64x512xf32, #tpu.memory_space<vmem>>, vector<1x16xf32>,
      %get3A_160 = vector.shape_cast %get3A_159 : vector<1x16xf32> to vector<16xf32>
      %add3A_161 = arith.addf %add3A_141, %get3A_160 : vector<16xf32>
      %get3A_162 = arith.index_cast %scan3A_133 : i32 to index
      %get3A_163 = arith.constant 80 : index
      %get3A_164 = tpu.vector_load %arg4[%get3A_162, %get3A_163] {strides = array<i32>} : memref<64x512xf32, #tpu.memory_space<vmem>>, vector<1x16xf32>,
      %get3A_165 = vector.shape_cast %get3A_164 : vector<1x16xf32> to vector<16xf32>
      %add3A_166 = arith.addf %add3A_146, %get3A_165 : vector<16xf32>
      %get3A_167 = arith.index_cast %scan3A_133 : i32 to index
      %get3A_168 = arith.constant 96 : index
      %get3A_169 = tpu.vector_load %arg4[%get3A_167, %get3A_168] {strides = array<i32>} : memref<64x512xf32, #tpu.memory_space<vmem>>, vector<1x16xf32>,
      %get3A_170 = vector.shape_cast %get3A_169 : vector<1x16xf32> to vector<16xf32>
      %add3A_171 = arith.addf %add3A_151, %get3A_170 : vector<16xf32>
      %get3A_172 = arith.index_cast %scan3A_133 : i32 to index
      %get3A_173 = arith.constant 112 : index
      %get3A_174 = tpu.vector_load %arg4[%get3A_172, %get3A_173] {strides = array<i32>} : memref<64x512xf32, #tpu.memory_space<vmem>>, vector<1x16xf32>,
      %get3A_175 = vector.shape_cast %get3A_174 : vector<1x16xf32> to vector<16xf32>
      %add3A_176 = arith.addf %add3A_156, %get3A_175 : vector<16xf32>
      %get3A_177 = arith.index_cast %scan3A_133 : i32 to index
      %get3A_178 = arith.constant 128 : index
      %get3A_179 = tpu.vector_load %arg4[%get3A_177, %get3A_178] {strides = array<i32>} : memref<64x512xf32, #tpu.memory_space<vmem>>, vector<1x16xf32>,
      %get3A_180 = vector.shape_cast %get3A_179 : vector<1x16xf32> to vector<16xf32>
      %add3A_181 = arith.addf %add3A_161, %get3A_180 : vector<16xf32>
      %get3A_182 = arith.index_cast %scan3A_133 : i32 to index
      %get3A_183 = arith.constant 144 : index
      %get3A_184 = tpu.vector_load %arg4[%get3A_182, %get3A_183] {strides = array<i32>} : memref<64x512xf32, #tpu.memory_space<vmem>>, vector<1x16xf32>,
      %get3A_185 = vector.shape_cast %get3A_184 : vector<1x16xf32> to vector<16xf32>
      %add3A_186 = arith.addf %add3A_166, %get3A_185 : vector<16xf32>
      %get3A_187 = arith.index_cast %scan3A_133 : i32 to index
      %get3A_188 = arith.constant 160 : index
      %get3A_189 = tpu.vector_load %arg4[%get3A_187, %get3A_188] {strides = array<i32>} : memref<64x512xf32, #tpu.memory_space<vmem>>, vector<1x16xf32>,
      %get3A_190 = vector.shape_cast %get3A_189 : vector<1x16xf32> to vector<16xf32>
      %add3A_191 = arith.addf %add3A_171, %get3A_190 : vector<16xf32>
      %get3A_192 = arith.index_cast %scan3A_133 : i32 to index
      %get3A_193 = arith.constant 176 : index
      %get3A_194 = tpu.vector_load %arg4[%get3A_192, %get3A_193] {strides = array<i32>} : memref<64x512xf32, #tpu.memory_space<vmem>>, vector<1x16xf32>,
      %get3A_195 = vector.shape_cast %get3A_194 : vector<1x16xf32> to vector<16xf32>
      %add3A_196 = arith.addf %add3A_176, %get3A_195 : vector<16xf32>
      %get3A_197 = arith.index_cast %scan3A_133 : i32 to index
      %get3A_198 = arith.constant 192 : index
      %get3A_199 = tpu.vector_load %arg4[%get3A_197, %get3A_198] {strides = array<i32>} : memref<64x512xf32, #tpu.memory_space<vmem>>, vector<1x16xf32>,
      %get3A_200 = vector.shape_cast %get3A_199 : vector<1x16xf32> to vector<16xf32>
      %add3A_201 = arith.addf %add3A_181, %get3A_200 : vector<16xf32>
      %get3A_202 = arith.index_cast %scan3A_133 : i32 to index
      %get3A_203 = arith.constant 208 : index
      %get3A_204 = tpu.vector_load %arg4[%get3A_202, %get3A_203] {strides = array<i32>} : memref<64x512xf32, #tpu.memory_space<vmem>>, vector<1x16xf32>,
      %get3A_205 = vector.shape_cast %get3A_204 : vector<1x16xf32> to vector<16xf32>
      %add3A_206 = arith.addf %add3A_186, %get3A_205 : vector<16xf32>
      %get3A_207 = arith.index_cast %scan3A_133 : i32 to index
      %get3A_208 = arith.constant 224 : index
      %get3A_209 = tpu.vector_load %arg4[%get3A_207, %get3A_208] {strides = array<i32>} : memref<64x512xf32, #tpu.memory_space<vmem>>, vector<1x16xf32>,
      %get3A_210 = vector.shape_cast %get3A_209 : vector<1x16xf32> to vector<16xf32>
      %add3A_211 = arith.addf %add3A_191, %get3A_210 : vector<16xf32>
      %get3A_212 = arith.index_cast %scan3A_133 : i32 to index
      %get3A_213 = arith.constant 240 : index
      %get3A_214 = tpu.vector_load %arg4[%get3A_212, %get3A_213] {strides = array<i32>} : memref<64x512xf32, #tpu.memory_space<vmem>>, vector<1x16xf32>,
      %get3A_215 = vector.shape_cast %get3A_214 : vector<1x16xf32> to vector<16xf32>
      %add3A_216 = arith.addf %add3A_196, %get3A_215 : vector<16xf32>
      %get3A_217 = arith.index_cast %scan3A_133 : i32 to index
      %get3A_218 = arith.constant 256 : index
      %get3A_219 = tpu.vector_load %arg4[%get3A_217, %get3A_218] {strides = array<i32>} : memref<64x512xf32, #tpu.memory_space<vmem>>, vector<1x16xf32>,
      %get3A_220 = vector.shape_cast %get3A_219 : vector<1x16xf32> to vector<16xf32>
      %add3A_221 = arith.addf %add3A_201, %get3A_220 : vector<16xf32>
      %get3A_222 = arith.index_cast %scan3A_133 : i32 to index
      %get3A_223 = arith.constant 272 : index
      %get3A_224 = tpu.vector_load %arg4[%get3A_222, %get3A_223] {strides = array<i32>} : memref<64x512xf32, #tpu.memory_space<vmem>>, vector<1x16xf32>,
      %get3A_225 = vector.shape_cast %get3A_224 : vector<1x16xf32> to vector<16xf32>
      %add3A_226 = arith.addf %add3A_206, %get3A_225 : vector<16xf32>
      %get3A_227 = arith.index_cast %scan3A_133 : i32 to index
      %get3A_228 = arith.constant 288 : index
      %get3A_229 = tpu.vector_load %arg4[%get3A_227, %get3A_228] {strides = array<i32>} : memref<64x512xf32, #tpu.memory_space<vmem>>, vector<1x16xf32>,
      %get3A_230 = vector.shape_cast %get3A_229 : vector<1x16xf32> to vector<16xf32>
      %add3A_231 = arith.addf %add3A_211, %get3A_230 : vector<16xf32>
      %get3A_232 = arith.index_cast %scan3A_133 : i32 to index
      %get3A_233 = arith.constant 304 : index
      %get3A_234 = tpu.vector_load %arg4[%get3A_232, %get3A_233] {strides = array<i32>} : memref<64x512xf32, #tpu.memory_space<vmem>>, vector<1x16xf32>,
      %get3A_235 = vector.shape_cast %get3A_234 : vector<1x16xf32> to vector<16xf32>
      %add3A_236 = arith.addf %add3A_216, %get3A_235 : vector<16xf32>
      %get3A_237 = arith.index_cast %scan3A_133 : i32 to index
      %get3A_238 = arith.constant 320 : index
      %get3A_239 = tpu.vector_load %arg4[%get3A_237, %get3A_238] {strides = array<i32>} : memref<64x512xf32, #tpu.memory_space<vmem>>, vector<1x16xf32>,
      %get3A_240 = vector.shape_cast %get3A_239 : vector<1x16xf32> to vector<16xf32>
      %add3A_241 = arith.addf %add3A_221, %get3A_240 : vector<16xf32>
      %get3A_242 = arith.index_cast %scan3A_133 : i32 to index
      %get3A_243 = arith.constant 336 : index
      %get3A_244 = tpu.vector_load %arg4[%get3A_242, %get3A_243] {strides = array<i32>} : memref<64x512xf32, #tpu.memory_space<vmem>>, vector<1x16xf32>,
      %get3A_245 = vector.shape_cast %get3A_244 : vector<1x16xf32> to vector<16xf32>
      %add3A_246 = arith.addf %add3A_226, %get3A_245 : vector<16xf32>
      %get3A_247 = arith.index_cast %scan3A_133 : i32 to index
      %get3A_248 = arith.constant 352 : index
      %get3A_249 = tpu.vector_load %arg4[%get3A_247, %get3A_248] {strides = array<i32>} : memref<64x512xf32, #tpu.memory_space<vmem>>, vector<1x16xf32>,
      %get3A_250 = vector.shape_cast %get3A_249 : vector<1x16xf32> to vector<16xf32>
      %add3A_251 = arith.addf %add3A_231, %get3A_250 : vector<16xf32>
      %get3A_252 = arith.index_cast %scan3A_133 : i32 to index
      %get3A_253 = arith.constant 368 : index
      %get3A_254 = tpu.vector_load %arg4[%get3A_252, %get3A_253] {strides = array<i32>} : memref<64x512xf32, #tpu.memory_space<vmem>>, vector<1x16xf32>,
      %get3A_255 = vector.shape_cast %get3A_254 : vector<1x16xf32> to vector<16xf32>
      %add3A_256 = arith.addf %add3A_236, %get3A_255 : vector<16xf32>
      %get3A_257 = arith.index_cast %scan3A_133 : i32 to index
      %get3A_258 = arith.constant 384 : index
      %get3A_259 = tpu.vector_load %arg4[%get3A_257, %get3A_258] {strides = array<i32>} : memref<64x512xf32, #tpu.memory_space<vmem>>, vector<1x16xf32>,
      %get3A_260 = vector.shape_cast %get3A_259 : vector<1x16xf32> to vector<16xf32>
      %add3A_261 = arith.addf %add3A_241, %get3A_260 : vector<16xf32>
      %get3A_262 = arith.index_cast %scan3A_133 : i32 to index
      %get3A_263 = arith.constant 400 : index
      %get3A_264 = tpu.vector_load %arg4[%get3A_262, %get3A_263] {strides = array<i32>} : memref<64x512xf32, #tpu.memory_space<vmem>>, vector<1x16xf32>,
      %get3A_265 = vector.shape_cast %get3A_264 : vector<1x16xf32> to vector<16xf32>
      %add3A_266 = arith.addf %add3A_246, %get3A_265 : vector<16xf32>
      %get3A_267 = arith.index_cast %scan3A_133 : i32 to index
      %get3A_268 = arith.constant 416 : index
      %get3A_269 = tpu.vector_load %arg4[%get3A_267, %get3A_268] {strides = array<i32>} : memref<64x512xf32, #tpu.memory_space<vmem>>, vector<1x16xf32>,
      %get3A_270 = vector.shape_cast %get3A_269 : vector<1x16xf32> to vector<16xf32>
      %add3A_271 = arith.addf %add3A_251, %get3A_270 : vector<16xf32>
      %get3A_272 = arith.index_cast %scan3A_133 : i32 to index
      %get3A_273 = arith.constant 432 : index
      %get3A_274 = tpu.vector_load %arg4[%get3A_272, %get3A_273] {strides = array<i32>} : memref<64x512xf32, #tpu.memory_space<vmem>>, vector<1x16xf32>,
      %get3A_275 = vector.shape_cast %get3A_274 : vector<1x16xf32> to vector<16xf32>
      %add3A_276 = arith.addf %add3A_256, %get3A_275 : vector<16xf32>
      %get3A_277 = arith.index_cast %scan3A_133 : i32 to index
      %get3A_278 = arith.constant 448 : index
      %get3A_279 = tpu.vector_load %arg4[%get3A_277, %get3A_278] {strides = array<i32>} : memref<64x512xf32, #tpu.memory_space<vmem>>, vector<1x16xf32>,
      %get3A_280 = vector.shape_cast %get3A_279 : vector<1x16xf32> to vector<16xf32>
      %add3A_281 = arith.addf %add3A_261, %get3A_280 : vector<16xf32>
      %get3A_282 = arith.index_cast %scan3A_133 : i32 to index
      %get3A_283 = arith.constant 464 : index
      %get3A_284 = tpu.vector_load %arg4[%get3A_282, %get3A_283] {strides = array<i32>} : memref<64x512xf32, #tpu.memory_space<vmem>>, vector<1x16xf32>,
      %get3A_285 = vector.shape_cast %get3A_284 : vector<1x16xf32> to vector<16xf32>
      %add3A_286 = arith.addf %add3A_266, %get3A_285 : vector<16xf32>
      %get3A_287 = arith.index_cast %scan3A_133 : i32 to index
      %get3A_288 = arith.constant 480 : index
      %get3A_289 = tpu.vector_load %arg4[%get3A_287, %get3A_288] {strides = array<i32>} : memref<64x512xf32, #tpu.memory_space<vmem>>, vector<1x16xf32>,
      %get3A_290 = vector.shape_cast %get3A_289 : vector<1x16xf32> to vector<16xf32>
      %add3A_291 = arith.addf %add3A_271, %get3A_290 : vector<16xf32>
      %get3A_292 = arith.index_cast %scan3A_133 : i32 to index
      %get3A_293 = arith.constant 496 : index
      %get3A_294 = tpu.vector_load %arg4[%get3A_292, %get3A_293] {strides = array<i32>} : memref<64x512xf32, #tpu.memory_space<vmem>>, vector<1x16xf32>,
      %get3A_295 = vector.shape_cast %get3A_294 : vector<1x16xf32> to vector<16xf32>
      %add3A_296 = arith.addf %add3A_276, %get3A_295 : vector<16xf32>
      scf.yield %add3A_281, %add3A_286, %add3A_291, %add3A_296 : vector<16xf32>, vector<16xf32>, vector<16xf32>, vector<16xf32>
    }
    %scan3A_116 = arith.constant 64 : i32
    %dma_wait3A_117 = arith.constant 0 : i32
    %dma_wait3A_118 = tpu.memref_slice %arg2[%add3A_102, %dma_wait3A_117] : memref<16384x512xf32, #tpu.memory_space<hbm>> -> memref<64x512xf32, #tpu.memory_space<hbm>>
    %dma_wait3A_119 = arith.constant 0 : i32
    %dma_wait3A_120 = tpu.memref_slice %arg2[%add3A_102, %dma_wait3A_119] : memref<16384x512xf32, #tpu.memory_space<hbm>> -> memref<64x512xf32, #tpu.memory_space<hbm>>
    tpu.wait_dma2 semaphore(%arg8 : memref<!tpu.dma_semaphore, #tpu.memory_space<semaphore_mem>>) src(%dma_wait3A_120 : memref<64x512xf32, #tpu.memory_space<hbm>>) dst(%arg5 : memref<64x512xf32, #tpu.memory_space<vmem>>)
    %scan3A_121 = arith.constant 0 : i32
    %scan3A_122 = arith.constant 64 : i32
    %scan3A_123 = arith.addi %scan3A_121, %scan3A_122 : i32
    %scan3A_124 = arith.constant 1 : i32
    %scan3A_125:4 = scf.for %scan3A_133 = %scan3A_121 to %scan3A_123 step %scan3A_124 iter_args(%scan3A_134 = %scan3A_115#0, %scan3A_135 = %scan3A_115#1, %scan3A_136 = %scan3A_115#2, %scan3A_137 = %scan3A_115#3) -> (vector<16xf32>, vector<16xf32>, vector<16xf32>, vector<16xf32>)  : i32 {
      %get3A = arith.index_cast %scan3A_133 : i32 to index
      %get3A_138 = arith.constant 0 : index
      %get3A_139 = tpu.vector_load %arg5[%get3A, %get3A_138] {strides = array<i32>} : memref<64x512xf32, #tpu.memory_space<vmem>>, vector<1x16xf32>,
      %get3A_140 = vector.shape_cast %get3A_139 : vector<1x16xf32> to vector<16xf32>
      %add3A_141 = arith.addf %scan3A_134, %get3A_140 : vector<16xf32>
      %get3A_142 = arith.index_cast %scan3A_133 : i32 to index
      %get3A_143 = arith.constant 16 : index
      %get3A_144 = tpu.vector_load %arg5[%get3A_142, %get3A_143] {strides = array<i32>} : memref<64x512xf32, #tpu.memory_space<vmem>>, vector<1x16xf32>,
      %get3A_145 = vector.shape_cast %get3A_144 : vector<1x16xf32> to vector<16xf32>
      %add3A_146 = arith.addf %scan3A_135, %get3A_145 : vector<16xf32>
      %get3A_147 = arith.index_cast %scan3A_133 : i32 to index
      %get3A_148 = arith.constant 32 : index
      %get3A_149 = tpu.vector_load %arg5[%get3A_147, %get3A_148] {strides = array<i32>} : memref<64x512xf32, #tpu.memory_space<vmem>>, vector<1x16xf32>,
      %get3A_150 = vector.shape_cast %get3A_149 : vector<1x16xf32> to vector<16xf32>
      %add3A_151 = arith.addf %scan3A_136, %get3A_150 : vector<16xf32>
      %get3A_152 = arith.index_cast %scan3A_133 : i32 to index
      %get3A_153 = arith.constant 48 : index
      %get3A_154 = tpu.vector_load %arg5[%get3A_152, %get3A_153] {strides = array<i32>} : memref<64x512xf32, #tpu.memory_space<vmem>>, vector<1x16xf32>,
      %get3A_155 = vector.shape_cast %get3A_154 : vector<1x16xf32> to vector<16xf32>
      %add3A_156 = arith.addf %scan3A_137, %get3A_155 : vector<16xf32>
      %get3A_157 = arith.index_cast %scan3A_133 : i32 to index
      %get3A_158 = arith.constant 64 : index
      %get3A_159 = tpu.vector_load %arg5[%get3A_157, %get3A_158] {strides = array<i32>} : memref<64x512xf32, #tpu.memory_space<vmem>>, vector<1x16xf32>,
      %get3A_160 = vector.shape_cast %get3A_159 : vector<1x16xf32> to vector<16xf32>
      %add3A_161 = arith.addf %add3A_141, %get3A_160 : vector<16xf32>
      %get3A_162 = arith.index_cast %scan3A_133 : i32 to index
      %get3A_163 = arith.constant 80 : index
      %get3A_164 = tpu.vector_load %arg5[%get3A_162, %get3A_163] {strides = array<i32>} : memref<64x512xf32, #tpu.memory_space<vmem>>, vector<1x16xf32>,
      %get3A_165 = vector.shape_cast %get3A_164 : vector<1x16xf32> to vector<16xf32>
      %add3A_166 = arith.addf %add3A_146, %get3A_165 : vector<16xf32>
      %get3A_167 = arith.index_cast %scan3A_133 : i32 to index
      %get3A_168 = arith.constant 96 : index
      %get3A_169 = tpu.vector_load %arg5[%get3A_167, %get3A_168] {strides = array<i32>} : memref<64x512xf32, #tpu.memory_space<vmem>>, vector<1x16xf32>,
      %get3A_170 = vector.shape_cast %get3A_169 : vector<1x16xf32> to vector<16xf32>
      %add3A_171 = arith.addf %add3A_151, %get3A_170 : vector<16xf32>
      %get3A_172 = arith.index_cast %scan3A_133 : i32 to index
      %get3A_173 = arith.constant 112 : index
      %get3A_174 = tpu.vector_load %arg5[%get3A_172, %get3A_173] {strides = array<i32>} : memref<64x512xf32, #tpu.memory_space<vmem>>, vector<1x16xf32>,
      %get3A_175 = vector.shape_cast %get3A_174 : vector<1x16xf32> to vector<16xf32>
      %add3A_176 = arith.addf %add3A_156, %get3A_175 : vector<16xf32>
      %get3A_177 = arith.index_cast %scan3A_133 : i32 to index
      %get3A_178 = arith.constant 128 : index
      %get3A_179 = tpu.vector_load %arg5[%get3A_177, %get3A_178] {strides = array<i32>} : memref<64x512xf32, #tpu.memory_space<vmem>>, vector<1x16xf32>,
      %get3A_180 = vector.shape_cast %get3A_179 : vector<1x16xf32> to vector<16xf32>
      %add3A_181 = arith.addf %add3A_161, %get3A_180 : vector<16xf32>
      %get3A_182 = arith.index_cast %scan3A_133 : i32 to index
      %get3A_183 = arith.constant 144 : index
      %get3A_184 = tpu.vector_load %arg5[%get3A_182, %get3A_183] {strides = array<i32>} : memref<64x512xf32, #tpu.memory_space<vmem>>, vector<1x16xf32>,
      %get3A_185 = vector.shape_cast %get3A_184 : vector<1x16xf32> to vector<16xf32>
      %add3A_186 = arith.addf %add3A_166, %get3A_185 : vector<16xf32>
      %get3A_187 = arith.index_cast %scan3A_133 : i32 to index
      %get3A_188 = arith.constant 160 : index
      %get3A_189 = tpu.vector_load %arg5[%get3A_187, %get3A_188] {strides = array<i32>} : memref<64x512xf32, #tpu.memory_space<vmem>>, vector<1x16xf32>,
      %get3A_190 = vector.shape_cast %get3A_189 : vector<1x16xf32> to vector<16xf32>
      %add3A_191 = arith.addf %add3A_171, %get3A_190 : vector<16xf32>
      %get3A_192 = arith.index_cast %scan3A_133 : i32 to index
      %get3A_193 = arith.constant 176 : index
      %get3A_194 = tpu.vector_load %arg5[%get3A_192, %get3A_193] {strides = array<i32>} : memref<64x512xf32, #tpu.memory_space<vmem>>, vector<1x16xf32>,
      %get3A_195 = vector.shape_cast %get3A_194 : vector<1x16xf32> to vector<16xf32>
      %add3A_196 = arith.addf %add3A_176, %get3A_195 : vector<16xf32>
      %get3A_197 = arith.index_cast %scan3A_133 : i32 to index
      %get3A_198 = arith.constant 192 : index
      %get3A_199 = tpu.vector_load %arg5[%get3A_197, %get3A_198] {strides = array<i32>} : memref<64x512xf32, #tpu.memory_space<vmem>>, vector<1x16xf32>,
      %get3A_200 = vector.shape_cast %get3A_199 : vector<1x16xf32> to vector<16xf32>
      %add3A_201 = arith.addf %add3A_181, %get3A_200 : vector<16xf32>
      %get3A_202 = arith.index_cast %scan3A_133 : i32 to index
      %get3A_203 = arith.constant 208 : index
      %get3A_204 = tpu.vector_load %arg5[%get3A_202, %get3A_203] {strides = array<i32>} : memref<64x512xf32, #tpu.memory_space<vmem>>, vector<1x16xf32>,
      %get3A_205 = vector.shape_cast %get3A_204 : vector<1x16xf32> to vector<16xf32>
      %add3A_206 = arith.addf %add3A_186, %get3A_205 : vector<16xf32>
      %get3A_207 = arith.index_cast %scan3A_133 : i32 to index
      %get3A_208 = arith.constant 224 : index
      %get3A_209 = tpu.vector_load %arg5[%get3A_207, %get3A_208] {strides = array<i32>} : memref<64x512xf32, #tpu.memory_space<vmem>>, vector<1x16xf32>,
      %get3A_210 = vector.shape_cast %get3A_209 : vector<1x16xf32> to vector<16xf32>
      %add3A_211 = arith.addf %add3A_191, %get3A_210 : vector<16xf32>
      %get3A_212 = arith.index_cast %scan3A_133 : i32 to index
      %get3A_213 = arith.constant 240 : index
      %get3A_214 = tpu.vector_load %arg5[%get3A_212, %get3A_213] {strides = array<i32>} : memref<64x512xf32, #tpu.memory_space<vmem>>, vector<1x16xf32>,
      %get3A_215 = vector.shape_cast %get3A_214 : vector<1x16xf32> to vector<16xf32>
      %add3A_216 = arith.addf %add3A_196, %get3A_215 : vector<16xf32>
      %get3A_217 = arith.index_cast %scan3A_133 : i32 to index
      %get3A_218 = arith.constant 256 : index
      %get3A_219 = tpu.vector_load %arg5[%get3A_217, %get3A_218] {strides = array<i32>} : memref<64x512xf32, #tpu.memory_space<vmem>>, vector<1x16xf32>,
      %get3A_220 = vector.shape_cast %get3A_219 : vector<1x16xf32> to vector<16xf32>
      %add3A_221 = arith.addf %add3A_201, %get3A_220 : vector<16xf32>
      %get3A_222 = arith.index_cast %scan3A_133 : i32 to index
      %get3A_223 = arith.constant 272 : index
      %get3A_224 = tpu.vector_load %arg5[%get3A_222, %get3A_223] {strides = array<i32>} : memref<64x512xf32, #tpu.memory_space<vmem>>, vector<1x16xf32>,
      %get3A_225 = vector.shape_cast %get3A_224 : vector<1x16xf32> to vector<16xf32>
      %add3A_226 = arith.addf %add3A_206, %get3A_225 : vector<16xf32>
      %get3A_227 = arith.index_cast %scan3A_133 : i32 to index
      %get3A_228 = arith.constant 288 : index
      %get3A_229 = tpu.vector_load %arg5[%get3A_227, %get3A_228] {strides = array<i32>} : memref<64x512xf32, #tpu.memory_space<vmem>>, vector<1x16xf32>,
      %get3A_230 = vector.shape_cast %get3A_229 : vector<1x16xf32> to vector<16xf32>
      %add3A_231 = arith.addf %add3A_211, %get3A_230 : vector<16xf32>
      %get3A_232 = arith.index_cast %scan3A_133 : i32 to index
      %get3A_233 = arith.constant 304 : index
      %get3A_234 = tpu.vector_load %arg5[%get3A_232, %get3A_233] {strides = array<i32>} : memref<64x512xf32, #tpu.memory_space<vmem>>, vector<1x16xf32>,
      %get3A_235 = vector.shape_cast %get3A_234 : vector<1x16xf32> to vector<16xf32>
      %add3A_236 = arith.addf %add3A_216, %get3A_235 : vector<16xf32>
      %get3A_237 = arith.index_cast %scan3A_133 : i32 to index
      %get3A_238 = arith.constant 320 : index
      %get3A_239 = tpu.vector_load %arg5[%get3A_237, %get3A_238] {strides = array<i32>} : memref<64x512xf32, #tpu.memory_space<vmem>>, vector<1x16xf32>,
      %get3A_240 = vector.shape_cast %get3A_239 : vector<1x16xf32> to vector<16xf32>
      %add3A_241 = arith.addf %add3A_221, %get3A_240 : vector<16xf32>
      %get3A_242 = arith.index_cast %scan3A_133 : i32 to index
      %get3A_243 = arith.constant 336 : index
      %get3A_244 = tpu.vector_load %arg5[%get3A_242, %get3A_243] {strides = array<i32>} : memref<64x512xf32, #tpu.memory_space<vmem>>, vector<1x16xf32>,
      %get3A_245 = vector.shape_cast %get3A_244 : vector<1x16xf32> to vector<16xf32>
      %add3A_246 = arith.addf %add3A_226, %get3A_245 : vector<16xf32>
      %get3A_247 = arith.index_cast %scan3A_133 : i32 to index
      %get3A_248 = arith.constant 352 : index
      %get3A_249 = tpu.vector_load %arg5[%get3A_247, %get3A_248] {strides = array<i32>} : memref<64x512xf32, #tpu.memory_space<vmem>>, vector<1x16xf32>,
      %get3A_250 = vector.shape_cast %get3A_249 : vector<1x16xf32> to vector<16xf32>
      %add3A_251 = arith.addf %add3A_231, %get3A_250 : vector<16xf32>
      %get3A_252 = arith.index_cast %scan3A_133 : i32 to index
      %get3A_253 = arith.constant 368 : index
      %get3A_254 = tpu.vector_load %arg5[%get3A_252, %get3A_253] {strides = array<i32>} : memref<64x512xf32, #tpu.memory_space<vmem>>, vector<1x16xf32>,
      %get3A_255 = vector.shape_cast %get3A_254 : vector<1x16xf32> to vector<16xf32>
      %add3A_256 = arith.addf %add3A_236, %get3A_255 : vector<16xf32>
      %get3A_257 = arith.index_cast %scan3A_133 : i32 to index
      %get3A_258 = arith.constant 384 : index
      %get3A_259 = tpu.vector_load %arg5[%get3A_257, %get3A_258] {strides = array<i32>} : memref<64x512xf32, #tpu.memory_space<vmem>>, vector<1x16xf32>,
      %get3A_260 = vector.shape_cast %get3A_259 : vector<1x16xf32> to vector<16xf32>
      %add3A_261 = arith.addf %add3A_241, %get3A_260 : vector<16xf32>
      %get3A_262 = arith.index_cast %scan3A_133 : i32 to index
      %get3A_263 = arith.constant 400 : index
      %get3A_264 = tpu.vector_load %arg5[%get3A_262, %get3A_263] {strides = array<i32>} : memref<64x512xf32, #tpu.memory_space<vmem>>, vector<1x16xf32>,
      %get3A_265 = vector.shape_cast %get3A_264 : vector<1x16xf32> to vector<16xf32>
      %add3A_266 = arith.addf %add3A_246, %get3A_265 : vector<16xf32>
      %get3A_267 = arith.index_cast %scan3A_133 : i32 to index
      %get3A_268 = arith.constant 416 : index
      %get3A_269 = tpu.vector_load %arg5[%get3A_267, %get3A_268] {strides = array<i32>} : memref<64x512xf32, #tpu.memory_space<vmem>>, vector<1x16xf32>,
      %get3A_270 = vector.shape_cast %get3A_269 : vector<1x16xf32> to vector<16xf32>
      %add3A_271 = arith.addf %add3A_251, %get3A_270 : vector<16xf32>
      %get3A_272 = arith.index_cast %scan3A_133 : i32 to index
      %get3A_273 = arith.constant 432 : index
      %get3A_274 = tpu.vector_load %arg5[%get3A_272, %get3A_273] {strides = array<i32>} : memref<64x512xf32, #tpu.memory_space<vmem>>, vector<1x16xf32>,
      %get3A_275 = vector.shape_cast %get3A_274 : vector<1x16xf32> to vector<16xf32>
      %add3A_276 = arith.addf %add3A_256, %get3A_275 : vector<16xf32>
      %get3A_277 = arith.index_cast %scan3A_133 : i32 to index
      %get3A_278 = arith.constant 448 : index
      %get3A_279 = tpu.vector_load %arg5[%get3A_277, %get3A_278] {strides = array<i32>} : memref<64x512xf32, #tpu.memory_space<vmem>>, vector<1x16xf32>,
      %get3A_280 = vector.shape_cast %get3A_279 : vector<1x16xf32> to vector<16xf32>
      %add3A_281 = arith.addf %add3A_261, %get3A_280 : vector<16xf32>
      %get3A_282 = arith.index_cast %scan3A_133 : i32 to index
      %get3A_283 = arith.constant 464 : index
      %get3A_284 = tpu.vector_load %arg5[%get3A_282, %get3A_283] {strides = array<i32>} : memref<64x512xf32, #tpu.memory_space<vmem>>, vector<1x16xf32>,
      %get3A_285 = vector.shape_cast %get3A_284 : vector<1x16xf32> to vector<16xf32>
      %add3A_286 = arith.addf %add3A_266, %get3A_285 : vector<16xf32>
      %get3A_287 = arith.index_cast %scan3A_133 : i32 to index
      %get3A_288 = arith.constant 480 : index
      %get3A_289 = tpu.vector_load %arg5[%get3A_287, %get3A_288] {strides = array<i32>} : memref<64x512xf32, #tpu.memory_space<vmem>>, vector<1x16xf32>,
      %get3A_290 = vector.shape_cast %get3A_289 : vector<1x16xf32> to vector<16xf32>
      %add3A_291 = arith.addf %add3A_271, %get3A_290 : vector<16xf32>
      %get3A_292 = arith.index_cast %scan3A_133 : i32 to index
      %get3A_293 = arith.constant 496 : index
      %get3A_294 = tpu.vector_load %arg5[%get3A_292, %get3A_293] {strides = array<i32>} : memref<64x512xf32, #tpu.memory_space<vmem>>, vector<1x16xf32>,
      %get3A_295 = vector.shape_cast %get3A_294 : vector<1x16xf32> to vector<16xf32>
      %add3A_296 = arith.addf %add3A_276, %get3A_295 : vector<16xf32>
      scf.yield %add3A_281, %add3A_286, %add3A_291, %add3A_296 : vector<16xf32>, vector<16xf32>, vector<16xf32>, vector<16xf32>
    }
    %scan3A_126 = arith.constant 64 : i32
    %add3A_127 = arith.addf %scan3A_125#0, %scan3A_125#1 : vector<16xf32>
    %add3A_128 = arith.addf %add3A_127, %scan3A_125#2 : vector<16xf32>
    %add3A_129 = arith.addf %add3A_128, %scan3A_125#3 : vector<16xf32>
    %swap3A = arith.constant 0 : index
    %swap3A_130 = tpu.vector_load %arg6[%swap3A] {strides = array<i32>} : memref<16xf32, #tpu.memory_space<vmem>>, vector<16xf32>,
    %swap3A_131 = vector.shape_cast %swap3A_130 : vector<16xf32> to vector<16xf32>
    %swap3A_132 = vector.shape_cast %add3A_129 : vector<16xf32> to vector<16xf32>
    tpu.vector_store %arg6[%swap3A], %swap3A_132 {strides = array<i32>} : memref<16xf32, #tpu.memory_space<vmem>>, vector<16xf32>,
    "tpu.region"() ({
      %run_scoped3A = tpu.sem_alloc : memref<!tpu.dma_semaphore, #tpu.memory_space<semaphore_mem>>
      %dma_start3A_133 = arith.constant 0 : i32
      %dma_start3A_134 = tpu.memref_slice %arg3[%add3A, %dma_start3A_133] : memref<32x16xf32, #tpu.memory_space<hbm>> -> memref<1x16xf32, #tpu.memory_space<hbm>>
      %dma_start3A_135 = tpu.memref_squeeze %dma_start3A_134 : memref<1x16xf32, #tpu.memory_space<hbm>> -> memref<16xf32, #tpu.memory_space<hbm>>
      %dma_start3A_136 = arith.constant 0 : i32
      %dma_start3A_137 = tpu.memref_slice %arg3[%add3A, %dma_start3A_136] : memref<32x16xf32, #tpu.memory_space<hbm>> -> memref<1x16xf32, #tpu.memory_space<hbm>>
      %dma_start3A_138 = tpu.memref_squeeze %dma_start3A_137 : memref<1x16xf32, #tpu.memory_space<hbm>> -> memref<16xf32, #tpu.memory_space<hbm>>
      tpu.enqueue_dma source(%arg6 : memref<16xf32, #tpu.memory_space<vmem>>) target(%dma_start3A_138 : memref<16xf32, #tpu.memory_space<hbm>>) target_semaphore(%run_scoped3A : memref<!tpu.dma_semaphore, #tpu.memory_space<semaphore_mem>>)
      %dma_wait3A_139 = arith.constant 0 : i32
      %dma_wait3A_140 = tpu.memref_slice %arg3[%add3A, %dma_wait3A_139] : memref<32x16xf32, #tpu.memory_space<hbm>> -> memref<1x16xf32, #tpu.memory_space<hbm>>
      %dma_wait3A_141 = tpu.memref_squeeze %dma_wait3A_140 : memref<1x16xf32, #tpu.memory_space<hbm>> -> memref<16xf32, #tpu.memory_space<hbm>>
      %dma_wait3A_142 = arith.constant 0 : i32
      %dma_wait3A_143 = tpu.memref_slice %arg3[%add3A, %dma_wait3A_142] : memref<32x16xf32, #tpu.memory_space<hbm>> -> memref<1x16xf32, #tpu.memory_space<hbm>>
      %dma_wait3A_144 = tpu.memref_squeeze %dma_wait3A_143 : memref<1x16xf32, #tpu.memory_space<hbm>> -> memref<16xf32, #tpu.memory_space<hbm>>
      tpu.wait_dma2 semaphore(%run_scoped3A : memref<!tpu.dma_semaphore, #tpu.memory_space<semaphore_mem>>) src(%arg6 : memref<16xf32, #tpu.memory_space<vmem>>) dst(%dma_wait3A_144 : memref<16xf32, #tpu.memory_space<hbm>>)
      tpu.yield
    }) : () -> ()
    return
  }
}

module attributes {stable_mosaic.version = 14 : i64} {
  func.func @_tc_body(%arg0: i32, %arg1: memref<1000x2048xf32, #tpu.memory_space<vmem>>, %arg2: memref<1x1x2048xi32, #tpu.memory_space<vmem>>, %arg3: memref<1000x512xf32, #tpu.memory_space<vmem>>, %arg4: memref<1x2xf32, #tpu.memory_space<smem>>, %arg5: memref<2xf32, #tpu.memory_space<smem>>) attributes {dimension_semantics = [#tpu.dimension_semantics<arbitrary>], iteration_bounds = array<i64: 8>, scalar_prefetch = 0 : i64, scratch_operands = 1 : i64, tpu.core_type = #tpu.core_type<tc>, window_params = [{transform_indices = @transform_0, window_bounds = array<i64: 1000, 2048>}, {transform_indices = @transform_1, window_bounds = array<i64: 1, 1, 2048>}, {pipeline_mode = #tpu.pipeline_mode<synchronous>, transform_indices = @transform_2, window_bounds = array<i64: 1000, 512>}, {transform_indices = @transform_3, window_bounds = array<i64: 1, 2>}]} {
    %get3A = arith.constant 0 : index
    %get3A_0 = arith.constant 0 : index
    %get3A_1 = vector.load %arg1[%get3A, %get3A_0] : memref<1000x2048xf32, #tpu.memory_space<vmem>>, vector<1000x2048xf32>
    %reduce_max3A = arith.constant dense<0xFF800000> : vector<2048xf32>
    %reduce_max3A_2 = vector.multi_reduction <maximumf>, %get3A_1, %reduce_max3A [0] : vector<1000x2048xf32> to vector<2048xf32>
    %broadcast_in_dim3A = vector.shape_cast %reduce_max3A_2 : vector<2048xf32> to vector<1x2048xf32>
    %sub3A = vector.broadcast %broadcast_in_dim3A : vector<1x2048xf32> to vector<1000x2048xf32>
    %sub3A_3 = arith.subf %get3A_1, %sub3A : vector<1000x2048xf32>
    %exp3A = math.exp %sub3A_3 : vector<1000x2048xf32>
    %reduce_sum3A = arith.constant dense<0.000000e+00> : vector<2048xf32>
    %reduce_sum3A_4 = vector.multi_reduction <add>, %exp3A, %reduce_sum3A [0] : vector<1000x2048xf32> to vector<2048xf32>
    %broadcast_in_dim3A_5 = vector.shape_cast %reduce_sum3A_4 : vector<2048xf32> to vector<1x2048xf32>
    %log3A = math.log %broadcast_in_dim3A_5 : vector<1x2048xf32>
    %add3A = arith.addf %broadcast_in_dim3A, %log3A : vector<1x2048xf32>
    %reduce_sum3A_6 = vector.shape_cast %add3A : vector<1x2048xf32> to vector<1x1x2048xf32>
    %reduce_sum3A_7 = arith.constant dense<0.000000e+00> : vector<1xf32>
    %reduce_sum3A_8 = vector.multi_reduction <add>, %reduce_sum3A_6, %reduce_sum3A_7 [1, 2] : vector<1x1x2048xf32> to vector<1xf32>
    %reduce_sum3A_9 = vector.shape_cast %reduce_sum3A_8 : vector<1xf32> to vector<1x1x1xf32>
    %reduce_sum3A_10 = vector.extract %reduce_sum3A_9[0, 0, 0] : f32 from vector<1x1x1xf32>
    %get3A_11 = arith.constant 0 : index
    %get3A_12 = arith.constant 0 : index
    %get3A_13 = arith.constant 0 : index
    %get3A_14 = vector.load %arg2[%get3A_11, %get3A_12, %get3A_13] : memref<1x1x2048xi32, #tpu.memory_space<vmem>>, vector<1x1x2048xi32>
    %get3A_15 = vector.shape_cast %get3A_14 : vector<1x1x2048xi32> to vector<1x2048xi32>
    %iota3A = tpu.iota {dimensions = array<i32: 0>} : vector<1000x2048xi32>
    %eq3A = vector.broadcast %get3A_15 : vector<1x2048xi32> to vector<1000x2048xi32>
    %eq3A_16 = arith.cmpi eq, %iota3A, %eq3A : vector<1000x2048xi32>
    %jit3A = arith.constant 0.000000e+00 : f32
    %broadcast_in_dim3A_17 = vector.broadcast %jit3A : f32 to vector<1000x2048xf32>
    %select_n3A = arith.select %eq3A_16, %get3A_1, %broadcast_in_dim3A_17 : vector<1000x2048xi1>, vector<1000x2048xf32>
    %reduce_sum3A_18 = vector.shape_cast %select_n3A : vector<1000x2048xf32> to vector<1x1000x2048xf32>
    %reduce_sum3A_19 = arith.constant dense<0.000000e+00> : vector<1xf32>
    %reduce_sum3A_20 = vector.multi_reduction <add>, %reduce_sum3A_18, %reduce_sum3A_19 [1, 2] : vector<1x1000x2048xf32> to vector<1xf32>
    %reduce_sum3A_21 = vector.shape_cast %reduce_sum3A_20 : vector<1xf32> to vector<1x1x1xf32>
    %reduce_sum3A_22 = vector.extract %reduce_sum3A_21[0, 0, 0] : f32 from vector<1x1x1xf32>
    %broadcast_in_dim3A_23 = arith.constant 1.000000e+00 : f32
    %broadcast_in_dim3A_24 = vector.broadcast %broadcast_in_dim3A_23 : f32 to vector<2048x1xf32>
    %broadcast_in_dim3A_25 = arith.constant 1.000000e+00 : f32
    %broadcast_in_dim3A_26 = vector.broadcast %broadcast_in_dim3A_25 : f32 to vector<512x1xf32>
    %convert_element_type3A = arith.extui %eq3A_16 : vector<1000x2048xi1> to vector<1000x2048xi32>
    %convert_element_type3A_27 = arith.sitofp %convert_element_type3A : vector<1000x2048xi32> to vector<1000x2048xf32>
    %dot_general3A = arith.constant dense<0.000000e+00> : vector<1000x1xf32>
    %dot_general3A_28 = tpu.matmul %convert_element_type3A_27, %broadcast_in_dim3A_24, %dot_general3A {dimension_numbers = #tpu.dot_dimension_numbers<[1], [0], [0], [1], [0, 0, 1, 1], [], []>, transpose_lhs_hint = false} : vector<1000x2048xf32>, vector<2048x1xf32>, vector<1000x1xf32> -> vector<1000x1xf32>
    %get3A_29 = arith.constant 0 : index
    %get3A_30 = arith.constant 0 : index
    %get3A_31 = vector.load %arg3[%get3A_29, %get3A_30] : memref<1000x512xf32, #tpu.memory_space<vmem>>, vector<1000x512xf32>
    %dot_general3A_32 = arith.constant dense<0.000000e+00> : vector<1000x1xf32>
    %dot_general3A_33 = tpu.matmul %get3A_31, %broadcast_in_dim3A_26, %dot_general3A_32 {dimension_numbers = #tpu.dot_dimension_numbers<[1], [0], [0], [1], [0, 0, 1, 1], [], []>, transpose_lhs_hint = false} : vector<1000x512xf32>, vector<512x1xf32>, vector<1000x1xf32> -> vector<1000x1xf32>
    %mul3A = arith.mulf %dot_general3A_28, %dot_general3A_33 : vector<1000x1xf32>
    %reduce_sum3A_34 = vector.shape_cast %mul3A : vector<1000x1xf32> to vector<1x1000x1xf32>
    %reduce_sum3A_35 = arith.constant dense<0.000000e+00> : vector<1xf32>
    %reduce_sum3A_36 = vector.multi_reduction <add>, %reduce_sum3A_34, %reduce_sum3A_35 [1, 2] : vector<1x1000x1xf32> to vector<1xf32>
    %reduce_sum3A_37 = vector.shape_cast %reduce_sum3A_36 : vector<1xf32> to vector<1x1x1xf32>
    %reduce_sum3A_38 = vector.extract %reduce_sum3A_37[0, 0, 0] : f32 from vector<1x1x1xf32>
    %sub3A_39 = arith.subf %reduce_sum3A_10, %reduce_sum3A_22 : f32
    %eq3A_40 = arith.constant 0 : i32
    %eq3A_41 = arith.cmpi eq, %arg0, %eq3A_40 : i32
    %convert_element_type3A_42 = arith.extui %eq3A_41 : i1 to i32
    %cond3A = arith.constant 0 : i32
    %cond3A_43 = arith.cmpi ne, %convert_element_type3A_42, %cond3A : i32
    scf.if %cond3A_43 {
      %swap3A = arith.constant 0 : index
      %swap3A_53 = memref.load %arg5[%swap3A] : memref<2xf32, #tpu.memory_space<smem>>
      memref.store %sub3A_39, %arg5[%swap3A] : memref<2xf32, #tpu.memory_space<smem>>
      %swap3A_54 = arith.constant 1 : index
      %swap3A_55 = memref.load %arg5[%swap3A_54] : memref<2xf32, #tpu.memory_space<smem>>
      memref.store %reduce_sum3A_38, %arg5[%swap3A_54] : memref<2xf32, #tpu.memory_space<smem>>
    } else {
    }
    %gt3A = arith.constant 0 : i32
    %gt3A_44 = arith.cmpi sgt, %arg0, %gt3A : i32
    %convert_element_type3A_45 = arith.extui %gt3A_44 : i1 to i32
    %cond3A_46 = arith.constant 0 : i32
    %cond3A_47 = arith.cmpi ne, %convert_element_type3A_45, %cond3A_46 : i32
    scf.if %cond3A_47 {
      %get3A_53 = arith.constant 0 : index
      %get3A_54 = memref.load %arg5[%get3A_53] : memref<2xf32, #tpu.memory_space<smem>>
      %add3A_55 = arith.addf %get3A_54, %sub3A_39 : f32
      %swap3A = arith.constant 0 : index
      %swap3A_56 = memref.load %arg5[%swap3A] : memref<2xf32, #tpu.memory_space<smem>>
      memref.store %add3A_55, %arg5[%swap3A] : memref<2xf32, #tpu.memory_space<smem>>
      %get3A_57 = arith.constant 1 : index
      %get3A_58 = memref.load %arg5[%get3A_57] : memref<2xf32, #tpu.memory_space<smem>>
      %add3A_59 = arith.addf %get3A_58, %reduce_sum3A_38 : f32
      %swap3A_60 = arith.constant 1 : index
      %swap3A_61 = memref.load %arg5[%swap3A_60] : memref<2xf32, #tpu.memory_space<smem>>
      memref.store %add3A_59, %arg5[%swap3A_60] : memref<2xf32, #tpu.memory_space<smem>>
    } else {
    }
    %eq3A_48 = arith.constant 7 : i32
    %eq3A_49 = arith.cmpi eq, %arg0, %eq3A_48 : i32
    %convert_element_type3A_50 = arith.extui %eq3A_49 : i1 to i32
    %cond3A_51 = arith.constant 0 : i32
    %cond3A_52 = arith.cmpi ne, %convert_element_type3A_50, %cond3A_51 : i32
    scf.if %cond3A_52 {
      %get3A_53 = arith.constant 0 : index
      %get3A_54 = memref.load %arg5[%get3A_53] : memref<2xf32, #tpu.memory_space<smem>>
      %swap3A = arith.constant 0 : index
      %swap3A_55 = arith.constant 0 : index
      %swap3A_56 = memref.load %arg4[%swap3A, %swap3A_55] : memref<1x2xf32, #tpu.memory_space<smem>>
      memref.store %get3A_54, %arg4[%swap3A, %swap3A_55] : memref<1x2xf32, #tpu.memory_space<smem>>
      %get3A_57 = arith.constant 1 : index
      %get3A_58 = memref.load %arg5[%get3A_57] : memref<2xf32, #tpu.memory_space<smem>>
      %swap3A_59 = arith.constant 0 : index
      %swap3A_60 = arith.constant 1 : index
      %swap3A_61 = memref.load %arg4[%swap3A_59, %swap3A_60] : memref<1x2xf32, #tpu.memory_space<smem>>
      memref.store %get3A_58, %arg4[%swap3A_59, %swap3A_60] : memref<1x2xf32, #tpu.memory_space<smem>>
    } else {
    }
    return
  }
  func.func @transform_0(%arg0: i32) -> (i32, i32) {
    %c0_i32 = arith.constant 0 : i32
    %c0_i32_0 = arith.constant 0 : i32
    return %c0_i32, %arg0 : i32, i32
  }
  func.func @transform_1(%arg0: i32) -> (i32, i32, i32) {
    %c0_i32 = arith.constant 0 : i32
    %c0_i32_0 = arith.constant 0 : i32
    %c0_i32_1 = arith.constant 0 : i32
    return %arg0, %c0_i32, %c0_i32_0 : i32, i32, i32
  }
  func.func @transform_2(%arg0: i32) -> (i32, i32) {
    %c0_i32 = arith.constant 0 : i32
    %c0_i32_0 = arith.constant 0 : i32
    %c0_i32_1 = arith.constant 0 : i32
    return %c0_i32, %c0_i32_0 : i32, i32
  }
  func.func @transform_3(%arg0: i32) -> (i32, i32) {
    %c0_i32 = arith.constant 0 : i32
    %c0_i32_0 = arith.constant 0 : i32
    %c0_i32_1 = arith.constant 0 : i32
    return %c0_i32, %c0_i32_0 : i32, i32
  }
}

</mosaic_0001>

<sc_bundles>
// kernel: kernel.4.cloned.1.call-start
scs
__scs_entry_jumppad:
0x0: {  	(pc) =	sbr.rel $0x88, $3  }
0x1: {  	(tag) =	ssettag $0x0;
	lr =	simm.s32 $0x1  }
0x2: {  	[smem:$0x3F9D] =	sst lr;
	_ =	strace $0xD0000000  }
0x3: {  	_ = 	snop  }
0x4: {  	_ = 	snop  }
0x5: {  	_ = 	snop  }
0x6: {  	_ = 	snop  }
0x7: {  	_ = 	snop  }
__scs_overlays_trampoline_lowered:
0x8: {  	[smem:$0x3FAC] =	sst s0  }
0x9: {  	[smem:$0x3FAD] =	sst s1  }
0xa: {  	[smem:$0x3FAE] =	sst s2  }
0xb: {  	[smem:$0x3FAF] =	sst s3  }
0xc: {  	[smem:$0x3FB0] =	sst s4  }
0xd: {  	[smem:$0x3FB1] =	sst s5  }
0xe: {  	[smem:$0x3FB2] =	sst s6  }
0xf: {  	[smem:$0x3FB3] =	sst s7  }
0x10: {  	[smem:$0x3FB4] =	sst s8  }
0x11: {  	[smem:$0x3FB5] =	sst s9;
	s0 =	simm.s32 @!p0 $0x0  }
0x12: {  	s1 =	sld [smem:$0x3F9B];
	s0 =	simm.s32 @p0 $0x1  }
0x13: {  	[smem:$0x3FB6] =	sst s0;
	s0 =	simm.s32 @!p1 $0x0  }
0x14: {  	s2 =	sld [smem:$0x3F9A];
	s0 =	simm.s32 @p1 $0x1  }
0x15: {  	[smem:$0x3FB7] =	sst s0;
	s0 =	simm.s32 @!p2 $0x0  }
0x16: {  	s3 =	sld [smem:$0x3FDB];
	s0 =	simm.s32 @p2 $0x1  }
0x17: {  	s4 =	simm.s32 $0x1BF5;
	[smem:$0x3FB9] =	sst s0  }
0x18: {  	s0 =	sld [smem:$0x3F9C];
	_ =	swait.ge [sflag:s4], $0x0  }
0x19: {  	s7 =	sld [smem:$0x3F9D]  }
0x1a: {  	s8 =	sadd.s32 $0xFFFFE003, lr  }
0x1b: {  	s9 =	sadd.s32 $0xFFFFFEF7, lr;
	s5 =	simm.s32 $0xFFFFFFFF;
	p2 =	slt.u32 s8, $0xFFFFF086  }
0x1c: {  	p1 =	slt.u32 s9, $0xF7A;
	s5 =	simm.s32 @!p2 $0x0  }
0x1d: {  	s5 =	simm.s32 @p1 $0x1;
	p0 =	seq.s32 s7, s2  }
0x1e: {  	s7 =	smul.u32 @!p0 $0xF7A, s2;
	p2 =	seq.s32 @!p0 s5, $0x0  }
0x1f: {  	s9 =	smul.u32 $0xF7A, s1;
	s8 =	simm.s32 @!p0 $0x1BF5;
	p2 =	por !p2, p0  }
0x20: {  	[sflag:s8] =	ssyncset.s32 @!p0 $0xFFFFF086;
	s6 =	sadd.s32 @!p0 s3, s7;
	s7 =	simm.s32 @!p0 $0x108  }
0x21: {  	s3 =	sadd.s32 s3, s9;
	s6 =	sadd.s32 @!p0 $0x88, s6;
	s7 =	simm.s32 @p2 $0x1082  }
0x22: {  	[simem:s7], [sflag:s8] =	dma.local @!p0 [hbm:s6], $0xF7A  }
0x23: {  	s9 =	sor.u32 $0xD0000000, s2;
	s6 =	simm.s32 $0x108;
	_ =	swait.ge @!p0 [sflag:s8], $0x0  }
0x24: {  	s3 =	sadd.s32 $0x88, s3;
	s6 =	simm.s32 @!p1 $0x1082;
	[sflag:s4] =	ssyncset.s32 $0xFFFFF086  }
0x25: {  	[simem:s6], [sflag:s4] =	dma.local [hbm:s3], $0xF7A  }
0x26: {  	[smem:$0x3F9D] =	sst s1;
	(tag) =	ssettag s2;
	_ =	strace s9  }
0x27: {  	s1 =	sld [smem:$0x3FAD]  }
0x28: {  	s2 =	sld [smem:$0x3FAE]  }
0x29: {  	s4 =	sld [smem:$0x3FB0]  }
0x2a: {  	p0 =	seq.s32 s5, $0x0;
	s5 =	sld [smem:$0x3FB1]  }
0x2b: {  	s6 =	sld [smem:$0x3FB2]  }
0x2c: {  	s7 =	sld [smem:$0x3FB3]  }
0x2d: {  	s3 =	simm.s32 $0x108;
	s8 =	sld [smem:$0x3FB4]  }
0x2e: {  	s3 =	simm.s32 @!p0 $0x1082;
	s9 =	sld [smem:$0x3FB5]  }
0x2f: {  	lr =	sadd.s32 s0, s3;
	s0 =	sld [smem:$0x3FAC]  }
0x30: {  	s3 =	sld [smem:$0x3FAF]  }
0x31: {  	[smem:$0x3FB8] =	sst s10  }
0x32: {  	s10 =	sld [smem:$0x3FB6];
	_ =	sdelay $0x3  }
0x33: {  	p0 =	seq.s32 s10, $0x1;
	s10 =	sld [smem:$0x3FB8];
	_ =	sdelay $0x3  }
0x34: {  	[smem:$0x3FB8] =	sst s10  }
0x35: {  	s10 =	sld [smem:$0x3FB7];
	_ =	sdelay $0x3  }
0x36: {  	p1 =	seq.s32 s10, $0x1;
	s10 =	sld [smem:$0x3FB8];
	_ =	sdelay $0x3  }
0x37: {  	[smem:$0x3FB8] =	sst s10  }
0x38: {  	s10 =	sld [smem:$0x3FB9]  }
0x39: {  	_ = 	snop;
	(pc) =	sbr.ind lr, $3  }
0x3a: {  	_ = 	snop  }
0x3b: {  	_ = 	snop  }
0x3c: {  	p2 =	seq.s32 s10, $0x1;
	s10 =	sld [smem:$0x3FB8]  }
0x3d: {  	_ =	shalt  }
0x3e: {  	_ =	shalt  }
0x3f: {  	_ =	shalt  }
0x40: {  	_ =	shalt  }
0x41: {  	_ =	shalt  }
0x42: {  	_ =	shalt  }
0x43: {  	_ =	shalt  }
0x44: {  	_ =	shalt  }
0x45: {  	_ =	shalt  }
0x46: {  	_ =	shalt  }
0x47: {  	_ =	shalt  }
0x48: {  	_ =	shalt  }
0x49: {  	_ =	shalt  }
0x4a: {  	_ =	shalt  }
0x4b: {  	_ =	shalt  }
0x4c: {  	_ =	shalt  }
0x4d: {  	_ =	shalt  }
0x4e: {  	_ =	shalt  }
0x4f: {  	_ =	shalt  }
0x50: {  	_ =	shalt  }
0x51: {  	_ =	shalt  }
0x52: {  	_ =	shalt  }
0x53: {  	_ =	shalt  }
0x54: {  	_ =	shalt  }
0x55: {  	_ =	shalt  }
0x56: {  	_ =	shalt  }
0x57: {  	_ =	shalt  }
0x58: {  	_ =	shalt  }
0x59: {  	_ =	shalt  }
0x5a: {  	_ =	shalt  }
0x5b: {  	_ =	shalt  }
0x5c: {  	_ =	shalt  }
0x5d: {  	_ =	shalt  }
0x5e: {  	_ =	shalt  }
0x5f: {  	_ =	shalt  }
0x60: {  	_ =	shalt  }
0x61: {  	_ =	shalt  }
0x62: {  	_ =	shalt  }
0x63: {  	_ =	shalt  }
0x64: {  	_ =	shalt  }
0x65: {  	_ =	shalt  }
0x66: {  	_ =	shalt  }
0x67: {  	_ =	shalt  }
0x68: {  	_ =	shalt  }
0x69: {  	_ =	shalt  }
0x6a: {  	_ =	shalt  }
0x6b: {  	_ =	shalt  }
0x6c: {  	_ =	shalt  }
0x6d: {  	_ =	shalt  }
0x6e: {  	_ =	shalt  }
0x6f: {  	_ =	shalt  }
0x70: {  	_ =	shalt  }
0x71: {  	_ =	shalt  }
0x72: {  	_ =	shalt  }
0x73: {  	_ =	shalt  }
0x74: {  	_ =	shalt  }
0x75: {  	_ =	shalt  }
0x76: {  	_ =	shalt  }
0x77: {  	_ =	shalt  }
0x78: {  	_ =	shalt  }
0x79: {  	_ =	shalt  }
0x7a: {  	_ =	shalt  }
0x7b: {  	_ =	shalt  }
0x7c: {  	_ =	shalt  }
0x7d: {  	_ =	shalt  }
0x7e: {  	_ =	shalt  }
0x7f: {  	_ =	shalt  }
0x80: {  	_ =	shalt  }
0x81: {  	_ =	shalt  }
0x82: {  	_ =	shalt  }
0x83: {  	_ =	shalt  }
0x84: {  	_ =	shalt  }
0x85: {  	_ =	shalt  }
0x86: {  	_ =	shalt  }
0x87: {  	_ =	shalt  }
.Lfunc_end0:
.L_simem_size_0:
called_computation_lowered:
.L_overlay_start_0:
0x88: {  	s2 =	sld [smem:$0x3FD9]  }
0x89: {  	s3 =	sld [smem:$0x3FFE];
	_ =	sdelay $0x1  }
0x8a: {  	s1 =	srdreg.scid  }
0x8b: {  	s0 =	sand.u32 $0x1, s1  }
0x8c: {  	s17 =	sshll.u32 s0, $0xA;
	s2 =	sadd.s32 s3, s2  }
0x8d: {  	s2 =	sadd.s32 s2, s17  }
0x8e: {  	[smem:$0x3FC4] =	sst s2  }
0x8f: {  	_ = 	snop  }
0x90: {  	s2 =	sld [smem:$0x3FC8];
	(tm) =	ssettm $0x1  }
0x91: {  	s18 =	sld [smem:$0x3FFB];
	_ =	sdelay $0x3  }
0x92: {  	_ =	strace s18  }
0x93: {  	s3 =	sld [smem:$0x3FFC];
	_ =	sdelay $0x3  }
0x94: {  	_ =	strace s3  }
0x95: {  	s3 =	sld [smem:$0x3FFD];
	_ =	sdelay $0x3  }
0x96: {  	_ =	strace s3  }
0x97: {  	_ =	strace $0x8FFFFFFF  }
0x98: {  	s19 =	sld [smem:$0x3FDB];
	_ =	sdelay $0x1  }
0x99: {  	s4 =	simm.s32 $_scs_section_size  }
0x9a: {  	s5 =	simm.s32 $_size__tile_overlayer_lowered;
	s6 =	simm.s32 $_tile_overlayer_lowered  }
0x9b: {  	s22 =	simm.s32 $0x1BFF;
	s21 =	sshll.u32 s6, $0x1;
	s3 =	sadd.s32 s4, s19  }
0x9c: {  	s7 =	simm.s32 $0x0;
	s20 =	sshll.u32 s5, $0x1;
	s5 =	sadd.s32 s21, s3  }
0x9d: {  	[timem:s7], [sflag:s22] =	dma.local [hbm:s5], s20  }
0x9e: {  	_ =	swait.ge [sflag:s22], s20  }
0x9f: {  	s4 =	ssub.s32 $0x0, s20;
	[sflag:s22] =	ssyncset.done $0x0  }
0xa0: {  	[sflag:s22] =	ssyncadd.s32 s4;
	_ =	sdelay $0x1  }
0xa1: {  	s23 =	simm.s32 $0x1B8B  }
0xa2: {  	_ =	swait.ge [sflag:s23], $0x1  }
0xa3: {  	[sflag:s23] =	ssyncset.done $0x0  }
0xa4: {  	s25 =	simm.s32 $0x1B8E;
	s24 =	sld [smem:$0x3FFE];
	[sflag:s23] =	ssyncadd.s32 $0xFFFFFFFF  }
0xa5: {  	s26 =	simm.s32 $execute0_lowered;
	[smem:$0x3FD2] =	sst s25  }
0xa6: {  	s5 =	sshll.u32 s26, $0x1;
	_ =	strace $0x80000046;
	[dreg:$0x1] =	wrdreg $0xFFFFFFFF  }
0xa7: {  	s28 =	simm.s32 $_size_execute0_lowered;
	s3 =	sadd.s32 s3, s5;
	[dreg:$0x0] =	wrdreg $0x0  }
0xa8: {  	s5 =	sshll.u32 s28, $0x1;
	[dreg:$0x2] =	wrdreg s3  }
0xa9: {  	[dreg:$0x3] =	wrdreg s5  }
0xaa: {  	[dreg:$0x4] =	wrdreg $0xC0  }
0xab: {  	_ =	task [dreg:s7], $0x5FFFF  }
0xac: {  	[dreg:$0x1] =	wrdreg $0xFFFFFFFF  }
0xad: {  	[dreg:$0x0] =	wrdreg $0x60  }
0xae: {  	[dreg:$0x2] =	wrdreg s2  }
0xaf: {  	[dreg:$0x3] =	wrdreg s24  }
0xb0: {  	[dreg:$0x4] =	wrdreg $0x9  }
0xb1: {  	_ =	task.clear_ibuf [dreg:s7], $0x5FFFF;
	_ =	strace $0x90000046  }
0xb2: {  	s29 =	simm.s32 $0x9;
	_ =	strace $0x80000048  }
0xb3: {  	_ =	swait.ge [sflag:s29], $0x1  }
0xb4: {  	[sflag:s29] =	ssyncadd.s32 $0xFFFFFFFF  }
0xb5: {  	_ =	strace $0x90000048  }
0xb6: {  	_ =	sfence  }
0xb7: {  	s30 =	sld [smem:$0x0];
	_ =	sdelay $0x2  }
0xb8: {  	s31 =	sshll.u32 s1, $0xD;
	s1 =	sshrl.u32 s1, $0x2  }
0xb9: {  	s3 =	sand.u32 $0x4000, s31;
	s1 =	sadd.s32 s1, s30  }
0xba: {  	s0 =	sor.u32 s3, s0;
	s1 =	sshll.u32 s1, $0x11  }
0xbb: {  	s0 =	sor.u32 s1, s0  }
0xbc: {  	s0 =	sadd.s32 $0x8F2B, s0  }
0xbd: {  	[sflag:s0] =	ssyncadd.remote.s32 $0x1  }
0xbe: {  	_ =	sfence.sel $0xFFFF  }
0xbf: {  	[dreg:$0x0] =	wrdreg $0xFFFFFFFF;
	(pc) =	sbr.abs _section_cstart, $3  }
0xc0: {  	[dreg:$0x1] =	wrdreg $0xFFFFFFFF  }
0xc1: {  	_ =	task.clear_ibuf [dreg:s7], $0x2FFFF;
	_ =	strace $0x9FFFFFFF  }
0xc2: {  	(tm) =	ssettm $0x7FFFFFFF  }
0xc3: {  	_ =	shalt  }
tec
execute0_lowered:
.L_overlay_start_1:
0x0: {  	(tag) =	ssettag $0x1  }
0x1: {  	s3 =	rddreg [dreg:$0x0]  }
0x2: {  	s4 =	rddreg [dreg:$0x1]  }
0x3: {  	s0 =	rddreg [dreg:$0x2]  }
0x4: {  	s2 =	simm.s32 $0x0;
	s5 =	srdreg.scid;
	s1 =	stileid.u32  }
0x5: {  	s13 =	simm.s32 $0x8000;
	s14 =	simm.s32 $0x1;
	s15 =	simm.s32 $0x2  }
0x6: {  	s16 =	simm.s32 $0x10000;
	s17 =	simm.s32 $0x3;
	s18 =	simm.s32 $0x0  }
0x7: {  	[smem:$0x7FF] =	sst s2;
	s5 =	sand.u32 $0x1, s5;
	s6 =	sshll.u32 s1, $0x1  }
0x8: {  	_ =	strace $0x80000047;
	s6 =	sor.u32 s5, s6;
	s5 =	ssub.s32 $0x2, s5  }
0x9: {  	s7 =	sshll.u32 s6, $0x4;
	s8 =	sshrl.u32 s5, $0x1;
	s6 =	sshll.u32 s6, $0xF  }
0xa: {  	s11 =	sadd.s32 s7, s4;
	s12 =	ssub.s32 s5, s8;
	s3 =	sadd.s32 s3, s6  }
0xb: {  	s4 =	sadd.s32 $0x1000, s3;
	s5 =	sadd.s32 $0x2000, s3;
	s6 =	sadd.s32 $0x3000, s3  }
0xc: {  	s7 =	sadd.s32 $0x4000, s3;
	s8 =	sadd.s32 $0x5000, s3;
	s9 =	sadd.s32 $0x6000, s3  }
0xd: {  	s10 =	sadd.s32 $0x7000, s3;
	s11 =	sadd.s32 $0x600, s11;
	s12 =	smax.u32 s12, $0x1  }
.LBB2_1:
0xe: {  	[tilespmem:s2], [sflag:$0x1] =	stream.linear.gather [hbm4b:s3+s2], $0x8000, $0x38;
	[tilespmem:$0x10080] =	vst v63  }
0xf: {  	_ = 	snop  }
0x10: {  	[tilespmem:s13], [sflag:$0x2] =	stream.linear.gather [hbm4b:s4+s2], $0x8000, $0x38;
	[tilespmem:$0x10080] =	vst v63  }
0x11: {  	_ =	swait.ge [sflag:s14], $0x8000  }
0x12: {  	s19 =	sand.u32 $0x7000, s2;
	s20 =	sand.u32 $0x380, s2;
	[sflag:s14] =	ssyncset.done $0x0  }
0x13: {  	s19 =	sor.u32 s20, s19;
	[sflag:s14] =	ssyncadd.s32 $0xFFFF8000  }
0x14: {  	v1 =	vld [tilespmem:s19+$0xC40]  }
0x15: {  	v3 =	vld [tilespmem:s19+$0xC50]  }
0x16: {  	v5 =	vld [tilespmem:s19+$0xC00]  }
0x17: {  	v7 =	vld [tilespmem:s19+$0xC10]  }
0x18: {  	v9 =	vld [tilespmem:s19+$0x840]  }
0x19: {  	v11 =	vld [tilespmem:s19+$0x850]  }
0x1a: {  	v13 =	vld [tilespmem:s19+$0x800]  }
0x1b: {  	v15 =	vld [tilespmem:s19+$0x810]  }
0x1c: {  	v12 =	vld [tilespmem:s19+$0x440]  }
0x1d: {  	v14 =	vld [tilespmem:s19+$0x450]  }
0x1e: {  	v8 =	vld [tilespmem:s19+$0x400]  }
0x1f: {  	v10 =	vld [tilespmem:s19+$0x410]  }
0x20: {  	v16 =	vld [tilespmem:s19+$0x40]  }
0x21: {  	v17 =	vld [tilespmem:s19+$0x50]  }
0x22: {  	v0 =	vimm.f32 $0.0e+00;
	v18 =	vld [tilespmem:s19+$0x0]  }
0x23: {  	v6 =	vimm.f32 $0.0e+00;
	v2 =	vimm.f32 $0.0e+00;
	v4 =	vimm.f32 $0.0e+00;
	s21 =	simm.s32 $0x0;
	s20 =	simm.s32 $0x200;
	v19 =	vld [tilespmem:s19+$0x10]  }
.LBB2_2:
0x24: {  	p0 =	sne.s32 s20, $0x7E00;
	v20 =	vld [tilespmem:s19+$0x20]  }
0x25: {  	v21 =	vld [tilespmem:s19+$0x30]  }
0x26: {  	v22 =	vld [tilespmem:s19+$0x60]  }
0x27: {  	v23 =	vld [tilespmem:s19+$0x70]  }
0x28: {  	v24 =	vld [tilespmem:s19+$0x420]  }
0x29: {  	v0 =	vadd.f32 v18, v0;
	v6 =	vadd.f32 v19, v6;
	v18 =	vld [tilespmem:s19+$0x430]  }
0x2a: {  	v2 =	vadd.f32 v20, v2;
	v4 =	vadd.f32 v21, v4;
	v19 =	vld [tilespmem:s19+$0x460]  }
0x2b: {  	v0 =	vadd.f32 v16, v0;
	v6 =	vadd.f32 v17, v6;
	v16 =	vld [tilespmem:s19+$0x470]  }
0x2c: {  	v2 =	vadd.f32 v22, v2;
	v4 =	vadd.f32 v23, v4;
	v17 =	vld [tilespmem:s19+$0x820]  }
0x2d: {  	v0 =	vadd.f32 v8, v0;
	v6 =	vadd.f32 v10, v6;
	v8 =	vld [tilespmem:s19+$0x830]  }
0x2e: {  	v2 =	vadd.f32 v24, v2;
	v4 =	vadd.f32 v18, v4;
	v10 =	vld [tilespmem:s19+$0x860]  }
0x2f: {  	v0 =	vadd.f32 v12, v0;
	v6 =	vadd.f32 v14, v6;
	v12 =	vld [tilespmem:s19+$0x870]  }
0x30: {  	v2 =	vadd.f32 v19, v2;
	v4 =	vadd.f32 v16, v4;
	v14 =	vld [tilespmem:s19+$0xC20]  }
0x31: {  	s21 =	sadd.s32 $0x80, s21;
	v0 =	vadd.f32 v13, v0;
	v6 =	vadd.f32 v15, v6;
	v13 =	vld [tilespmem:s19+$0xC30]  }
0x32: {  	s22 =	sand.u32 $0x7000, s20;
	s23 =	sand.u32 $0x380, s21;
	v2 =	vadd.f32 v17, v2;
	v4 =	vadd.f32 v8, v4;
	v8 =	vld [tilespmem:s19+$0xC60]  }
0x33: {  	v0 =	vadd.f32 v9, v0;
	v6 =	vadd.f32 v11, v6;
	v11 =	vld [tilespmem:s19+$0xC70];
	s19 =	sor.u32 s23, s22  }
0x34: {  	v2 =	vadd.f32 v10, v2;
	v15 =	vld [tilespmem:s19+$0xC40];
	v4 =	vadd.f32 v12, v4  }
0x35: {  	v0 =	vadd.f32 v5, v0;
	v6 =	vadd.f32 v7, v6;
	v10 =	vld [tilespmem:s19+$0xC50]  }
0x36: {  	v2 =	vadd.f32 v14, v2;
	v5 =	vld [tilespmem:s19+$0xC00];
	v4 =	vadd.f32 v13, v4  }
0x37: {  	v0 =	vadd.f32 v1, v0;
	v6 =	vadd.f32 v3, v6;
	v7 =	vld [tilespmem:s19+$0xC10]  }
0x38: {  	v2 =	vadd.f32 v8, v2;
	v9 =	vld [tilespmem:s19+$0x840];
	v4 =	vadd.f32 v11, v4  }
0x39: {  	v11 =	vld [tilespmem:s19+$0x850];
	v1 =	vmov v15  }
0x3a: {  	v13 =	vld [tilespmem:s19+$0x800];
	v3 =	vmov v10  }
0x3b: {  	v15 =	vld [tilespmem:s19+$0x810]  }
0x3c: {  	v12 =	vld [tilespmem:s19+$0x440]  }
0x3d: {  	v14 =	vld [tilespmem:s19+$0x450]  }
0x3e: {  	v8 =	vld [tilespmem:s19+$0x400]  }
.Ltmp0:
0x3f: {  	v10 =	vld [tilespmem:s19+$0x410];
	(pc) =	sbr.rel @p0 .LBB2_2-.Ltmp0, $4  }
0x40: {  	v16 =	vld [tilespmem:s19+$0x40]  }
0x41: {  	v17 =	vld [tilespmem:s19+$0x50]  }
0x42: {  	v18 =	vld [tilespmem:s19+$0x0]  }
0x43: {  	s20 =	sadd.s32 $0x200, s20;
	v19 =	vld [tilespmem:s19+$0x10]  }
0x44: {  	v20 =	vld [tilespmem:s19+$0x20]  }
0x45: {  	v21 =	vld [tilespmem:s19+$0x30]  }
0x46: {  	v22 =	vld [tilespmem:s19+$0x60]  }
0x47: {  	v23 =	vld [tilespmem:s19+$0x70]  }
0x48: {  	v24 =	vld [tilespmem:s19+$0x420]  }
0x49: {  	v25 =	vld [tilespmem:s19+$0x430]  }
0x4a: {  	v26 =	vld [tilespmem:s19+$0x460]  }
0x4b: {  	v27 =	vld [tilespmem:s19+$0x470]  }
0x4c: {  	v28 =	vld [tilespmem:s19+$0x820]  }
0x4d: {  	v29 =	vld [tilespmem:s19+$0x830]  }
0x4e: {  	v30 =	vld [tilespmem:s19+$0x860]  }
0x4f: {  	v31 =	vld [tilespmem:s19+$0x870]  }
0x50: {  	v32 =	vld [tilespmem:s19+$0xC20]  }
0x51: {  	v33 =	vld [tilespmem:s19+$0xC30]  }
0x52: {  	v34 =	vld [tilespmem:s19+$0xC60];
	s20 =	simm.s32 $0x0  }
0x53: {  	v35 =	vld [tilespmem:s19+$0xC70];
	[tilespmem:s20], [sflag:$0x1] =	stream.linear.gather [hbm4b:s5+s20], $0x8000, $0x38  }
0x54: {  	_ =	swait.ge [sflag:s15], $0x8000  }
0x55: {  	s31 =	sand.u32 $0x7000, s20;
	s21 =	sand.u32 $0x380, s20;
	[sflag:s15] =	ssyncset.done $0x0  }
0x56: {  	s19 =	sor.u32 s21, s31;
	[sflag:s15] =	ssyncadd.s32 $0xFFFF8000  }
0x57: {  	v18 =	vadd.f32 v18, v0;
	v6 =	vadd.f32 v19, v6;
	v0 =	vld [tilespmem:s19+$0x8C40]  }
0x58: {  	v19 =	vadd.f32 v20, v2;
	v20 =	vadd.f32 v21, v4;
	v2 =	vld [tilespmem:s19+$0x8C50]  }
0x59: {  	v16 =	vadd.f32 v16, v18;
	v4 =	vld [tilespmem:s19+$0x8C00];
	v17 =	vadd.f32 v17, v6  }
0x5a: {  	v6 =	vld [tilespmem:s19+$0x8C10];
	v18 =	vadd.f32 v22, v19;
	v19 =	vadd.f32 v23, v20  }
0x5b: {  	v16 =	vadd.f32 v8, v16;
	v8 =	vld [tilespmem:s19+$0x8840];
	v17 =	vadd.f32 v10, v17  }
0x5c: {  	v10 =	vld [tilespmem:s19+$0x8850];
	v18 =	vadd.f32 v24, v18;
	v19 =	vadd.f32 v25, v19  }
0x5d: {  	v16 =	vadd.f32 v12, v16;
	v12 =	vld [tilespmem:s19+$0x8800];
	v17 =	vadd.f32 v14, v17  }
0x5e: {  	v14 =	vld [tilespmem:s19+$0x8810];
	v18 =	vadd.f32 v26, v18;
	v19 =	vadd.f32 v27, v19  }
0x5f: {  	v16 =	vadd.f32 v13, v16;
	v13 =	vld [tilespmem:s19+$0x8440];
	v17 =	vadd.f32 v15, v17  }
0x60: {  	v15 =	vld [tilespmem:s19+$0x8450];
	v18 =	vadd.f32 v28, v18;
	v19 =	vadd.f32 v29, v19  }
0x61: {  	v16 =	vadd.f32 v9, v16;
	v9 =	vld [tilespmem:s19+$0x8400];
	v17 =	vadd.f32 v11, v17  }
0x62: {  	v11 =	vld [tilespmem:s19+$0x8410];
	v18 =	vadd.f32 v30, v18;
	v19 =	vadd.f32 v31, v19  }
0x63: {  	v5 =	vadd.f32 v5, v16;
	v16 =	vld [tilespmem:s19+$0x8040];
	v7 =	vadd.f32 v7, v17  }
0x64: {  	v17 =	vld [tilespmem:s19+$0x8050];
	v20 =	vadd.f32 v32, v18;
	v19 =	vadd.f32 v33, v19  }
0x65: {  	v1 =	vadd.f32 v1, v5;
	v18 =	vld [tilespmem:s19+$0x8000];
	v3 =	vadd.f32 v3, v7  }
0x66: {  	s21 =	simm.s32 $0x200;
	v5 =	vadd.f32 v34, v20;
	v7 =	vadd.f32 v35, v19;
	v19 =	vld [tilespmem:s19+$0x8010]  }
.LBB2_4:
0x67: {  	p0 =	sne.s32 s21, $0x7E00;
	v20 =	vld [tilespmem:s19+$0x8020]  }
0x68: {  	v21 =	vld [tilespmem:s19+$0x8030]  }
0x69: {  	v22 =	vld [tilespmem:s19+$0x8060]  }
0x6a: {  	v23 =	vld [tilespmem:s19+$0x8070]  }
0x6b: {  	v24 =	vld [tilespmem:s19+$0x8420]  }
0x6c: {  	v1 =	vadd.f32 v18, v1;
	v3 =	vadd.f32 v19, v3;
	v18 =	vld [tilespmem:s19+$0x8430]  }
0x6d: {  	v5 =	vadd.f32 v20, v5;
	v7 =	vadd.f32 v21, v7;
	v19 =	vld [tilespmem:s19+$0x8460]  }
0x6e: {  	v1 =	vadd.f32 v16, v1;
	v3 =	vadd.f32 v17, v3;
	v16 =	vld [tilespmem:s19+$0x8470]  }
0x6f: {  	v5 =	vadd.f32 v22, v5;
	v7 =	vadd.f32 v23, v7;
	v17 =	vld [tilespmem:s19+$0x8820]  }
0x70: {  	v1 =	vadd.f32 v9, v1;
	v3 =	vadd.f32 v11, v3;
	v9 =	vld [tilespmem:s19+$0x8830]  }
0x71: {  	v5 =	vadd.f32 v24, v5;
	v7 =	vadd.f32 v18, v7;
	v11 =	vld [tilespmem:s19+$0x8860]  }
0x72: {  	v1 =	vadd.f32 v13, v1;
	v3 =	vadd.f32 v15, v3;
	v13 =	vld [tilespmem:s19+$0x8870]  }
0x73: {  	v5 =	vadd.f32 v19, v5;
	v7 =	vadd.f32 v16, v7;
	v15 =	vld [tilespmem:s19+$0x8C20]  }
0x74: {  	s20 =	sadd.s32 $0x80, s20;
	v1 =	vadd.f32 v12, v1;
	v3 =	vadd.f32 v14, v3;
	v12 =	vld [tilespmem:s19+$0x8C30]  }
0x75: {  	s22 =	sand.u32 $0x7000, s21;
	s23 =	sand.u32 $0x380, s20;
	v5 =	vadd.f32 v17, v5;
	v7 =	vadd.f32 v9, v7;
	v9 =	vld [tilespmem:s19+$0x8C60]  }
0x76: {  	v1 =	vadd.f32 v8, v1;
	v3 =	vadd.f32 v10, v3;
	v10 =	vld [tilespmem:s19+$0x8C70];
	s19 =	sor.u32 s23, s22  }
0x77: {  	v5 =	vadd.f32 v11, v5;
	v14 =	vld [tilespmem:s19+$0x8C40];
	v7 =	vadd.f32 v13, v7  }
0x78: {  	v1 =	vadd.f32 v4, v1;
	v3 =	vadd.f32 v6, v3;
	v11 =	vld [tilespmem:s19+$0x8C50]  }
0x79: {  	v5 =	vadd.f32 v15, v5;
	v4 =	vld [tilespmem:s19+$0x8C00];
	v7 =	vadd.f32 v12, v7  }
0x7a: {  	v1 =	vadd.f32 v0, v1;
	v3 =	vadd.f32 v2, v3;
	v6 =	vld [tilespmem:s19+$0x8C10]  }
0x7b: {  	v5 =	vadd.f32 v9, v5;
	v8 =	vld [tilespmem:s19+$0x8840];
	v7 =	vadd.f32 v10, v7  }
0x7c: {  	v10 =	vld [tilespmem:s19+$0x8850];
	v0 =	vmov v14  }
0x7d: {  	v12 =	vld [tilespmem:s19+$0x8800];
	v2 =	vmov v11  }
0x7e: {  	v14 =	vld [tilespmem:s19+$0x8810]  }
0x7f: {  	v13 =	vld [tilespmem:s19+$0x8440]  }
0x80: {  	v15 =	vld [tilespmem:s19+$0x8450]  }
0x81: {  	v9 =	vld [tilespmem:s19+$0x8400]  }
.Ltmp1:
0x82: {  	v11 =	vld [tilespmem:s19+$0x8410];
	(pc) =	sbr.rel @p0 .LBB2_4-.Ltmp1, $4  }
0x83: {  	v16 =	vld [tilespmem:s19+$0x8040]  }
0x84: {  	v17 =	vld [tilespmem:s19+$0x8050]  }
0x85: {  	v18 =	vld [tilespmem:s19+$0x8000]  }
0x86: {  	s21 =	sadd.s32 $0x200, s21;
	v19 =	vld [tilespmem:s19+$0x8010]  }
0x87: {  	v20 =	vld [tilespmem:s19+$0x8020]  }
0x88: {  	v21 =	vld [tilespmem:s19+$0x8030]  }
0x89: {  	v22 =	vld [tilespmem:s19+$0x8060]  }
0x8a: {  	v23 =	vld [tilespmem:s19+$0x8070]  }
0x8b: {  	v24 =	vld [tilespmem:s19+$0x8420]  }
0x8c: {  	v25 =	vld [tilespmem:s19+$0x8430]  }
0x8d: {  	v26 =	vld [tilespmem:s19+$0x8460]  }
0x8e: {  	v27 =	vld [tilespmem:s19+$0x8470]  }
0x8f: {  	v28 =	vld [tilespmem:s19+$0x8820]  }
0x90: {  	v29 =	vld [tilespmem:s19+$0x8830]  }
0x91: {  	v30 =	vld [tilespmem:s19+$0x8860]  }
0x92: {  	v31 =	vld [tilespmem:s19+$0x8870]  }
0x93: {  	v32 =	vld [tilespmem:s19+$0x8C20]  }
0x94: {  	v33 =	vld [tilespmem:s19+$0x8C30]  }
0x95: {  	v34 =	vld [tilespmem:s19+$0x8C60];
	s20 =	simm.s32 $0x0  }
0x96: {  	v35 =	vld [tilespmem:s19+$0x8C70];
	[tilespmem:s13], [sflag:$0x2] =	stream.linear.gather [hbm4b:s6+s20], $0x8000, $0x38  }
0x97: {  	_ =	swait.ge [sflag:s14], $0x8000  }
0x98: {  	s31 =	sand.u32 $0x7000, s20;
	s21 =	sand.u32 $0x380, s20;
	[sflag:s14] =	ssyncset.done $0x0  }
0x99: {  	s19 =	sor.u32 s21, s31;
	[sflag:s14] =	ssyncadd.s32 $0xFFFF8000  }
0x9a: {  	v18 =	vadd.f32 v18, v1;
	v19 =	vadd.f32 v19, v3;
	v1 =	vld [tilespmem:s19+$0xC40]  }
0x9b: {  	v20 =	vadd.f32 v20, v5;
	v7 =	vadd.f32 v21, v7;
	v3 =	vld [tilespmem:s19+$0xC50]  }
0x9c: {  	v16 =	vadd.f32 v16, v18;
	v5 =	vld [tilespmem:s19+$0xC00];
	v17 =	vadd.f32 v17, v19  }
0x9d: {  	v18 =	vadd.f32 v22, v20;
	v19 =	vadd.f32 v23, v7;
	v7 =	vld [tilespmem:s19+$0xC10]  }
0x9e: {  	v16 =	vadd.f32 v9, v16;
	v9 =	vld [tilespmem:s19+$0x840];
	v17 =	vadd.f32 v11, v17  }
0x9f: {  	v11 =	vld [tilespmem:s19+$0x850];
	v18 =	vadd.f32 v24, v18;
	v19 =	vadd.f32 v25, v19  }
0xa0: {  	v16 =	vadd.f32 v13, v16;
	v13 =	vld [tilespmem:s19+$0x800];
	v17 =	vadd.f32 v15, v17  }
0xa1: {  	v15 =	vld [tilespmem:s19+$0x810];
	v18 =	vadd.f32 v26, v18;
	v19 =	vadd.f32 v27, v19  }
0xa2: {  	v16 =	vadd.f32 v12, v16;
	v12 =	vld [tilespmem:s19+$0x440];
	v17 =	vadd.f32 v14, v17  }
0xa3: {  	v14 =	vld [tilespmem:s19+$0x450];
	v18 =	vadd.f32 v28, v18;
	v19 =	vadd.f32 v29, v19  }
0xa4: {  	v16 =	vadd.f32 v8, v16;
	v8 =	vld [tilespmem:s19+$0x400];
	v17 =	vadd.f32 v10, v17  }
0xa5: {  	v10 =	vld [tilespmem:s19+$0x410];
	v18 =	vadd.f32 v30, v18;
	v19 =	vadd.f32 v31, v19  }
0xa6: {  	v4 =	vadd.f32 v4, v16;
	v16 =	vld [tilespmem:s19+$0x40];
	v6 =	vadd.f32 v6, v17  }
0xa7: {  	v17 =	vld [tilespmem:s19+$0x50];
	v20 =	vadd.f32 v32, v18;
	v19 =	vadd.f32 v33, v19  }
0xa8: {  	v0 =	vadd.f32 v0, v4;
	v18 =	vld [tilespmem:s19+$0x0];
	v2 =	vadd.f32 v2, v6  }
0xa9: {  	s21 =	simm.s32 $0x200;
	v4 =	vadd.f32 v34, v20;
	v6 =	vadd.f32 v35, v19;
	v19 =	vld [tilespmem:s19+$0x10]  }
.LBB2_6:
0xaa: {  	p0 =	sne.s32 s21, $0x7E00;
	v20 =	vld [tilespmem:s19+$0x20]  }
0xab: {  	v21 =	vld [tilespmem:s19+$0x30]  }
0xac: {  	v22 =	vld [tilespmem:s19+$0x60]  }
0xad: {  	v23 =	vld [tilespmem:s19+$0x70]  }
0xae: {  	v24 =	vld [tilespmem:s19+$0x420]  }
0xaf: {  	v0 =	vadd.f32 v18, v0;
	v2 =	vadd.f32 v19, v2;
	v18 =	vld [tilespmem:s19+$0x430]  }
0xb0: {  	v4 =	vadd.f32 v20, v4;
	v6 =	vadd.f32 v21, v6;
	v19 =	vld [tilespmem:s19+$0x460]  }
0xb1: {  	v0 =	vadd.f32 v16, v0;
	v2 =	vadd.f32 v17, v2;
	v16 =	vld [tilespmem:s19+$0x470]  }
0xb2: {  	v4 =	vadd.f32 v22, v4;
	v6 =	vadd.f32 v23, v6;
	v17 =	vld [tilespmem:s19+$0x820]  }
0xb3: {  	v0 =	vadd.f32 v8, v0;
	v2 =	vadd.f32 v10, v2;
	v8 =	vld [tilespmem:s19+$0x830]  }
0xb4: {  	v4 =	vadd.f32 v24, v4;
	v6 =	vadd.f32 v18, v6;
	v10 =	vld [tilespmem:s19+$0x860]  }
0xb5: {  	v0 =	vadd.f32 v12, v0;
	v2 =	vadd.f32 v14, v2;
	v12 =	vld [tilespmem:s19+$0x870]  }
0xb6: {  	v4 =	vadd.f32 v19, v4;
	v6 =	vadd.f32 v16, v6;
	v14 =	vld [tilespmem:s19+$0xC20]  }
0xb7: {  	s20 =	sadd.s32 $0x80, s20;
	v0 =	vadd.f32 v13, v0;
	v2 =	vadd.f32 v15, v2;
	v13 =	vld [tilespmem:s19+$0xC30]  }
0xb8: {  	s22 =	sand.u32 $0x7000, s21;
	s23 =	sand.u32 $0x380, s20;
	v4 =	vadd.f32 v17, v4;
	v6 =	vadd.f32 v8, v6;
	v8 =	vld [tilespmem:s19+$0xC60]  }
0xb9: {  	v0 =	vadd.f32 v9, v0;
	v2 =	vadd.f32 v11, v2;
	v11 =	vld [tilespmem:s19+$0xC70];
	s19 =	sor.u32 s23, s22  }
0xba: {  	v4 =	vadd.f32 v10, v4;
	v15 =	vld [tilespmem:s19+$0xC40];
	v6 =	vadd.f32 v12, v6  }
0xbb: {  	v0 =	vadd.f32 v5, v0;
	v2 =	vadd.f32 v7, v2;
	v10 =	vld [tilespmem:s19+$0xC50]  }
0xbc: {  	v4 =	vadd.f32 v14, v4;
	v5 =	vld [tilespmem:s19+$0xC00];
	v6 =	vadd.f32 v13, v6  }
0xbd: {  	v0 =	vadd.f32 v1, v0;
	v2 =	vadd.f32 v3, v2;
	v7 =	vld [tilespmem:s19+$0xC10]  }
0xbe: {  	v4 =	vadd.f32 v8, v4;
	v9 =	vld [tilespmem:s19+$0x840];
	v6 =	vadd.f32 v11, v6  }
0xbf: {  	v11 =	vld [tilespmem:s19+$0x850];
	v1 =	vmov v15  }
0xc0: {  	v13 =	vld [tilespmem:s19+$0x800];
	v3 =	vmov v10  }
0xc1: {  	v15 =	vld [tilespmem:s19+$0x810]  }
0xc2: {  	v12 =	vld [tilespmem:s19+$0x440]  }
0xc3: {  	v14 =	vld [tilespmem:s19+$0x450]  }
0xc4: {  	v8 =	vld [tilespmem:s19+$0x400]  }
.Ltmp2:
0xc5: {  	v10 =	vld [tilespmem:s19+$0x410];
	(pc) =	sbr.rel @p0 .LBB2_6-.Ltmp2, $4  }
0xc6: {  	v16 =	vld [tilespmem:s19+$0x40]  }
0xc7: {  	v17 =	vld [tilespmem:s19+$0x50]  }
0xc8: {  	v18 =	vld [tilespmem:s19+$0x0]  }
0xc9: {  	s21 =	sadd.s32 $0x200, s21;
	v19 =	vld [tilespmem:s19+$0x10]  }
0xca: {  	v20 =	vld [tilespmem:s19+$0x20]  }
0xcb: {  	v21 =	vld [tilespmem:s19+$0x30]  }
0xcc: {  	v22 =	vld [tilespmem:s19+$0x60]  }
0xcd: {  	v23 =	vld [tilespmem:s19+$0x70]  }
0xce: {  	v24 =	vld [tilespmem:s19+$0x420]  }
0xcf: {  	v25 =	vld [tilespmem:s19+$0x430]  }
0xd0: {  	v26 =	vld [tilespmem:s19+$0x460]  }
0xd1: {  	v27 =	vld [tilespmem:s19+$0x470]  }
0xd2: {  	v28 =	vld [tilespmem:s19+$0x820]  }
0xd3: {  	v29 =	vld [tilespmem:s19+$0x830]  }
0xd4: {  	v30 =	vld [tilespmem:s19+$0x860]  }
0xd5: {  	v31 =	vld [tilespmem:s19+$0x870]  }
0xd6: {  	v32 =	vld [tilespmem:s19+$0xC20]  }
0xd7: {  	v33 =	vld [tilespmem:s19+$0xC30]  }
0xd8: {  	v34 =	vld [tilespmem:s19+$0xC60];
	s20 =	simm.s32 $0x0  }
0xd9: {  	v35 =	vld [tilespmem:s19+$0xC70];
	[tilespmem:s20], [sflag:$0x1] =	stream.linear.gather [hbm4b:s7+s20], $0x8000, $0x38  }
0xda: {  	_ =	swait.ge [sflag:s15], $0x8000  }
0xdb: {  	s31 =	sand.u32 $0x7000, s20;
	s21 =	sand.u32 $0x380, s20;
	[sflag:s15] =	ssyncset.done $0x0  }
0xdc: {  	s19 =	sor.u32 s21, s31;
	[sflag:s15] =	ssyncadd.s32 $0xFFFF8000  }
0xdd: {  	v18 =	vadd.f32 v18, v0;
	v19 =	vadd.f32 v19, v2;
	v0 =	vld [tilespmem:s19+$0x8C40]  }
0xde: {  	v20 =	vadd.f32 v20, v4;
	v6 =	vadd.f32 v21, v6;
	v2 =	vld [tilespmem:s19+$0x8C50]  }
0xdf: {  	v16 =	vadd.f32 v16, v18;
	v4 =	vld [tilespmem:s19+$0x8C00];
	v17 =	vadd.f32 v17, v19  }
0xe0: {  	v18 =	vadd.f32 v22, v20;
	v19 =	vadd.f32 v23, v6;
	v6 =	vld [tilespmem:s19+$0x8C10]  }
0xe1: {  	v16 =	vadd.f32 v8, v16;
	v8 =	vld [tilespmem:s19+$0x8840];
	v17 =	vadd.f32 v10, v17  }
0xe2: {  	v10 =	vld [tilespmem:s19+$0x8850];
	v18 =	vadd.f32 v24, v18;
	v19 =	vadd.f32 v25, v19  }
0xe3: {  	v16 =	vadd.f32 v12, v16;
	v12 =	vld [tilespmem:s19+$0x8800];
	v17 =	vadd.f32 v14, v17  }
0xe4: {  	v14 =	vld [tilespmem:s19+$0x8810];
	v18 =	vadd.f32 v26, v18;
	v19 =	vadd.f32 v27, v19  }
0xe5: {  	v16 =	vadd.f32 v13, v16;
	v13 =	vld [tilespmem:s19+$0x8440];
	v17 =	vadd.f32 v15, v17  }
0xe6: {  	v15 =	vld [tilespmem:s19+$0x8450];
	v18 =	vadd.f32 v28, v18;
	v19 =	vadd.f32 v29, v19  }
0xe7: {  	v16 =	vadd.f32 v9, v16;
	v9 =	vld [tilespmem:s19+$0x8400];
	v17 =	vadd.f32 v11, v17  }
0xe8: {  	v11 =	vld [tilespmem:s19+$0x8410];
	v18 =	vadd.f32 v30, v18;
	v19 =	vadd.f32 v31, v19  }
0xe9: {  	v5 =	vadd.f32 v5, v16;
	v16 =	vld [tilespmem:s19+$0x8040];
	v7 =	vadd.f32 v7, v17  }
0xea: {  	v17 =	vld [tilespmem:s19+$0x8050];
	v20 =	vadd.f32 v32, v18;
	v19 =	vadd.f32 v33, v19  }
0xeb: {  	v1 =	vadd.f32 v1, v5;
	v18 =	vld [tilespmem:s19+$0x8000];
	v3 =	vadd.f32 v3, v7  }
0xec: {  	s21 =	simm.s32 $0x200;
	v5 =	vadd.f32 v34, v20;
	v7 =	vadd.f32 v35, v19;
	v19 =	vld [tilespmem:s19+$0x8010]  }
.LBB2_8:
0xed: {  	p0 =	sne.s32 s21, $0x7E00;
	v20 =	vld [tilespmem:s19+$0x8020]  }
0xee: {  	v21 =	vld [tilespmem:s19+$0x8030]  }
0xef: {  	v22 =	vld [tilespmem:s19+$0x8060]  }
0xf0: {  	v23 =	vld [tilespmem:s19+$0x8070]  }
0xf1: {  	v24 =	vld [tilespmem:s19+$0x8420]  }
0xf2: {  	v1 =	vadd.f32 v18, v1;
	v3 =	vadd.f32 v19, v3;
	v18 =	vld [tilespmem:s19+$0x8430]  }
0xf3: {  	v5 =	vadd.f32 v20, v5;
	v7 =	vadd.f32 v21, v7;
	v19 =	vld [tilespmem:s19+$0x8460]  }
0xf4: {  	v1 =	vadd.f32 v16, v1;
	v3 =	vadd.f32 v17, v3;
	v16 =	vld [tilespmem:s19+$0x8470]  }
0xf5: {  	v5 =	vadd.f32 v22, v5;
	v7 =	vadd.f32 v23, v7;
	v17 =	vld [tilespmem:s19+$0x8820]  }
0xf6: {  	v1 =	vadd.f32 v9, v1;
	v3 =	vadd.f32 v11, v3;
	v9 =	vld [tilespmem:s19+$0x8830]  }
0xf7: {  	v5 =	vadd.f32 v24, v5;
	v7 =	vadd.f32 v18, v7;
	v11 =	vld [tilespmem:s19+$0x8860]  }
0xf8: {  	v1 =	vadd.f32 v13, v1;
	v3 =	vadd.f32 v15, v3;
	v13 =	vld [tilespmem:s19+$0x8870]  }
0xf9: {  	v5 =	vadd.f32 v19, v5;
	v7 =	vadd.f32 v16, v7;
	v15 =	vld [tilespmem:s19+$0x8C20]  }
0xfa: {  	s20 =	sadd.s32 $0x80, s20;
	v1 =	vadd.f32 v12, v1;
	v3 =	vadd.f32 v14, v3;
	v12 =	vld [tilespmem:s19+$0x8C30]  }
0xfb: {  	s22 =	sand.u32 $0x7000, s21;
	s23 =	sand.u32 $0x380, s20;
	v5 =	vadd.f32 v17, v5;
	v7 =	vadd.f32 v9, v7;
	v9 =	vld [tilespmem:s19+$0x8C60]  }
0xfc: {  	v1 =	vadd.f32 v8, v1;
	v3 =	vadd.f32 v10, v3;
	v10 =	vld [tilespmem:s19+$0x8C70];
	s19 =	sor.u32 s23, s22  }
0xfd: {  	v5 =	vadd.f32 v11, v5;
	v14 =	vld [tilespmem:s19+$0x8C40];
	v7 =	vadd.f32 v13, v7  }
0xfe: {  	v1 =	vadd.f32 v4, v1;
	v3 =	vadd.f32 v6, v3;
	v11 =	vld [tilespmem:s19+$0x8C50]  }
0xff: {  	v5 =	vadd.f32 v15, v5;
	v4 =	vld [tilespmem:s19+$0x8C00];
	v7 =	vadd.f32 v12, v7  }
0x100: {  	v1 =	vadd.f32 v0, v1;
	v3 =	vadd.f32 v2, v3;
	v6 =	vld [tilespmem:s19+$0x8C10]  }
0x101: {  	v5 =	vadd.f32 v9, v5;
	v8 =	vld [tilespmem:s19+$0x8840];
	v7 =	vadd.f32 v10, v7  }
0x102: {  	v10 =	vld [tilespmem:s19+$0x8850];
	v0 =	vmov v14  }
0x103: {  	v12 =	vld [tilespmem:s19+$0x8800];
	v2 =	vmov v11  }
0x104: {  	v14 =	vld [tilespmem:s19+$0x8810]  }
0x105: {  	v13 =	vld [tilespmem:s19+$0x8440]  }
0x106: {  	v15 =	vld [tilespmem:s19+$0x8450]  }
0x107: {  	v9 =	vld [tilespmem:s19+$0x8400]  }
.Ltmp3:
0x108: {  	v11 =	vld [tilespmem:s19+$0x8410];
	(pc) =	sbr.rel @p0 .LBB2_8-.Ltmp3, $4  }
0x109: {  	v16 =	vld [tilespmem:s19+$0x8040]  }
0x10a: {  	v17 =	vld [tilespmem:s19+$0x8050]  }
0x10b: {  	v18 =	vld [tilespmem:s19+$0x8000]  }
0x10c: {  	s21 =	sadd.s32 $0x200, s21;
	v19 =	vld [tilespmem:s19+$0x8010]  }
0x10d: {  	v20 =	vld [tilespmem:s19+$0x8020]  }
0x10e: {  	v21 =	vld [tilespmem:s19+$0x8030]  }
0x10f: {  	v22 =	vld [tilespmem:s19+$0x8060]  }
0x110: {  	v23 =	vld [tilespmem:s19+$0x8070]  }
0x111: {  	v24 =	vld [tilespmem:s19+$0x8420]  }
0x112: {  	v25 =	vld [tilespmem:s19+$0x8430]  }
0x113: {  	v26 =	vld [tilespmem:s19+$0x8460]  }
0x114: {  	v27 =	vld [tilespmem:s19+$0x8470]  }
0x115: {  	v28 =	vld [tilespmem:s19+$0x8820]  }
0x116: {  	v29 =	vld [tilespmem:s19+$0x8830]  }
0x117: {  	v30 =	vld [tilespmem:s19+$0x8860]  }
0x118: {  	v31 =	vld [tilespmem:s19+$0x8870]  }
0x119: {  	v32 =	vld [tilespmem:s19+$0x8C20]  }
0x11a: {  	v33 =	vld [tilespmem:s19+$0x8C30]  }
0x11b: {  	v34 =	vld [tilespmem:s19+$0x8C60];
	s20 =	simm.s32 $0x0  }
0x11c: {  	v35 =	vld [tilespmem:s19+$0x8C70];
	[tilespmem:s13], [sflag:$0x2] =	stream.linear.gather [hbm4b:s8+s20], $0x8000, $0x38  }
0x11d: {  	_ =	swait.ge [sflag:s14], $0x8000  }
0x11e: {  	s31 =	sand.u32 $0x7000, s20;
	s21 =	sand.u32 $0x380, s20;
	[sflag:s14] =	ssyncset.done $0x0  }
0x11f: {  	s19 =	sor.u32 s21, s31;
	[sflag:s14] =	ssyncadd.s32 $0xFFFF8000  }
0x120: {  	v18 =	vadd.f32 v18, v1;
	v19 =	vadd.f32 v19, v3;
	v1 =	vld [tilespmem:s19+$0xC40]  }
0x121: {  	v20 =	vadd.f32 v20, v5;
	v7 =	vadd.f32 v21, v7;
	v3 =	vld [tilespmem:s19+$0xC50]  }
0x122: {  	v16 =	vadd.f32 v16, v18;
	v5 =	vld [tilespmem:s19+$0xC00];
	v17 =	vadd.f32 v17, v19  }
0x123: {  	v18 =	vadd.f32 v22, v20;
	v19 =	vadd.f32 v23, v7;
	v7 =	vld [tilespmem:s19+$0xC10]  }
0x124: {  	v16 =	vadd.f32 v9, v16;
	v9 =	vld [tilespmem:s19+$0x840];
	v17 =	vadd.f32 v11, v17  }
0x125: {  	v11 =	vld [tilespmem:s19+$0x850];
	v18 =	vadd.f32 v24, v18;
	v19 =	vadd.f32 v25, v19  }
0x126: {  	v16 =	vadd.f32 v13, v16;
	v13 =	vld [tilespmem:s19+$0x800];
	v17 =	vadd.f32 v15, v17  }
0x127: {  	v15 =	vld [tilespmem:s19+$0x810];
	v18 =	vadd.f32 v26, v18;
	v19 =	vadd.f32 v27, v19  }
0x128: {  	v16 =	vadd.f32 v12, v16;
	v12 =	vld [tilespmem:s19+$0x440];
	v17 =	vadd.f32 v14, v17  }
0x129: {  	v14 =	vld [tilespmem:s19+$0x450];
	v18 =	vadd.f32 v28, v18;
	v19 =	vadd.f32 v29, v19  }
0x12a: {  	v16 =	vadd.f32 v8, v16;
	v8 =	vld [tilespmem:s19+$0x400];
	v17 =	vadd.f32 v10, v17  }
0x12b: {  	v10 =	vld [tilespmem:s19+$0x410];
	v18 =	vadd.f32 v30, v18;
	v19 =	vadd.f32 v31, v19  }
0x12c: {  	v4 =	vadd.f32 v4, v16;
	v16 =	vld [tilespmem:s19+$0x40];
	v6 =	vadd.f32 v6, v17  }
0x12d: {  	v17 =	vld [tilespmem:s19+$0x50];
	v20 =	vadd.f32 v32, v18;
	v19 =	vadd.f32 v33, v19  }
0x12e: {  	v0 =	vadd.f32 v0, v4;
	v18 =	vld [tilespmem:s19+$0x0];
	v2 =	vadd.f32 v2, v6  }
0x12f: {  	s21 =	simm.s32 $0x200;
	v4 =	vadd.f32 v34, v20;
	v6 =	vadd.f32 v35, v19;
	v19 =	vld [tilespmem:s19+$0x10]  }
.LBB2_10:
0x130: {  	p0 =	sne.s32 s21, $0x7E00;
	v20 =	vld [tilespmem:s19+$0x20]  }
0x131: {  	v21 =	vld [tilespmem:s19+$0x30]  }
0x132: {  	v22 =	vld [tilespmem:s19+$0x60]  }
0x133: {  	v23 =	vld [tilespmem:s19+$0x70]  }
0x134: {  	v24 =	vld [tilespmem:s19+$0x420]  }
0x135: {  	v0 =	vadd.f32 v18, v0;
	v2 =	vadd.f32 v19, v2;
	v18 =	vld [tilespmem:s19+$0x430]  }
0x136: {  	v4 =	vadd.f32 v20, v4;
	v6 =	vadd.f32 v21, v6;
	v19 =	vld [tilespmem:s19+$0x460]  }
0x137: {  	v0 =	vadd.f32 v16, v0;
	v2 =	vadd.f32 v17, v2;
	v16 =	vld [tilespmem:s19+$0x470]  }
0x138: {  	v4 =	vadd.f32 v22, v4;
	v6 =	vadd.f32 v23, v6;
	v17 =	vld [tilespmem:s19+$0x820]  }
0x139: {  	v0 =	vadd.f32 v8, v0;
	v2 =	vadd.f32 v10, v2;
	v8 =	vld [tilespmem:s19+$0x830]  }
0x13a: {  	v4 =	vadd.f32 v24, v4;
	v6 =	vadd.f32 v18, v6;
	v10 =	vld [tilespmem:s19+$0x860]  }
0x13b: {  	v0 =	vadd.f32 v12, v0;
	v2 =	vadd.f32 v14, v2;
	v12 =	vld [tilespmem:s19+$0x870]  }
0x13c: {  	v4 =	vadd.f32 v19, v4;
	v6 =	vadd.f32 v16, v6;
	v14 =	vld [tilespmem:s19+$0xC20]  }
0x13d: {  	s20 =	sadd.s32 $0x80, s20;
	v0 =	vadd.f32 v13, v0;
	v2 =	vadd.f32 v15, v2;
	v13 =	vld [tilespmem:s19+$0xC30]  }
0x13e: {  	s22 =	sand.u32 $0x7000, s21;
	s23 =	sand.u32 $0x380, s20;
	v4 =	vadd.f32 v17, v4;
	v6 =	vadd.f32 v8, v6;
	v8 =	vld [tilespmem:s19+$0xC60]  }
0x13f: {  	v0 =	vadd.f32 v9, v0;
	v2 =	vadd.f32 v11, v2;
	v11 =	vld [tilespmem:s19+$0xC70];
	s19 =	sor.u32 s23, s22  }
0x140: {  	v4 =	vadd.f32 v10, v4;
	v15 =	vld [tilespmem:s19+$0xC40];
	v6 =	vadd.f32 v12, v6  }
0x141: {  	v0 =	vadd.f32 v5, v0;
	v2 =	vadd.f32 v7, v2;
	v10 =	vld [tilespmem:s19+$0xC50]  }
0x142: {  	v4 =	vadd.f32 v14, v4;
	v5 =	vld [tilespmem:s19+$0xC00];
	v6 =	vadd.f32 v13, v6  }
0x143: {  	v0 =	vadd.f32 v1, v0;
	v2 =	vadd.f32 v3, v2;
	v7 =	vld [tilespmem:s19+$0xC10]  }
0x144: {  	v4 =	vadd.f32 v8, v4;
	v9 =	vld [tilespmem:s19+$0x840];
	v6 =	vadd.f32 v11, v6  }
0x145: {  	v11 =	vld [tilespmem:s19+$0x850];
	v1 =	vmov v15  }
0x146: {  	v13 =	vld [tilespmem:s19+$0x800];
	v3 =	vmov v10  }
0x147: {  	v15 =	vld [tilespmem:s19+$0x810]  }
0x148: {  	v12 =	vld [tilespmem:s19+$0x440]  }
0x149: {  	v14 =	vld [tilespmem:s19+$0x450]  }
0x14a: {  	v8 =	vld [tilespmem:s19+$0x400]  }
.Ltmp4:
0x14b: {  	v10 =	vld [tilespmem:s19+$0x410];
	(pc) =	sbr.rel @p0 .LBB2_10-.Ltmp4, $4  }
0x14c: {  	v16 =	vld [tilespmem:s19+$0x40]  }
0x14d: {  	v17 =	vld [tilespmem:s19+$0x50]  }
0x14e: {  	v18 =	vld [tilespmem:s19+$0x0]  }
0x14f: {  	s21 =	sadd.s32 $0x200, s21;
	v19 =	vld [tilespmem:s19+$0x10]  }
0x150: {  	v20 =	vld [tilespmem:s19+$0x20]  }
0x151: {  	v21 =	vld [tilespmem:s19+$0x30]  }
0x152: {  	v22 =	vld [tilespmem:s19+$0x60]  }
0x153: {  	v23 =	vld [tilespmem:s19+$0x70]  }
0x154: {  	v24 =	vld [tilespmem:s19+$0x420]  }
0x155: {  	v25 =	vld [tilespmem:s19+$0x430]  }
0x156: {  	v26 =	vld [tilespmem:s19+$0x460]  }
0x157: {  	v27 =	vld [tilespmem:s19+$0x470]  }
0x158: {  	v28 =	vld [tilespmem:s19+$0x820]  }
0x159: {  	v29 =	vld [tilespmem:s19+$0x830]  }
0x15a: {  	v30 =	vld [tilespmem:s19+$0x860]  }
0x15b: {  	v31 =	vld [tilespmem:s19+$0x870]  }
0x15c: {  	v32 =	vld [tilespmem:s19+$0xC20]  }
0x15d: {  	v33 =	vld [tilespmem:s19+$0xC30]  }
0x15e: {  	v34 =	vld [tilespmem:s19+$0xC60];
	s20 =	simm.s32 $0x0  }
0x15f: {  	v35 =	vld [tilespmem:s19+$0xC70];
	[tilespmem:s20], [sflag:$0x1] =	stream.linear.gather [hbm4b:s9+s20], $0x8000, $0x38  }
0x160: {  	_ =	swait.ge [sflag:s15], $0x8000  }
0x161: {  	s31 =	sand.u32 $0x7000, s20;
	s21 =	sand.u32 $0x380, s20;
	[sflag:s15] =	ssyncset.done $0x0  }
0x162: {  	s19 =	sor.u32 s21, s31;
	[sflag:s15] =	ssyncadd.s32 $0xFFFF8000  }
0x163: {  	v18 =	vadd.f32 v18, v0;
	v19 =	vadd.f32 v19, v2;
	v0 =	vld [tilespmem:s19+$0x8C40]  }
0x164: {  	v20 =	vadd.f32 v20, v4;
	v6 =	vadd.f32 v21, v6;
	v2 =	vld [tilespmem:s19+$0x8C50]  }
0x165: {  	v16 =	vadd.f32 v16, v18;
	v4 =	vld [tilespmem:s19+$0x8C00];
	v17 =	vadd.f32 v17, v19  }
0x166: {  	v18 =	vadd.f32 v22, v20;
	v19 =	vadd.f32 v23, v6;
	v6 =	vld [tilespmem:s19+$0x8C10]  }
0x167: {  	v16 =	vadd.f32 v8, v16;
	v8 =	vld [tilespmem:s19+$0x8840];
	v17 =	vadd.f32 v10, v17  }
0x168: {  	v10 =	vld [tilespmem:s19+$0x8850];
	v18 =	vadd.f32 v24, v18;
	v19 =	vadd.f32 v25, v19  }
0x169: {  	v16 =	vadd.f32 v12, v16;
	v12 =	vld [tilespmem:s19+$0x8800];
	v17 =	vadd.f32 v14, v17  }
0x16a: {  	v14 =	vld [tilespmem:s19+$0x8810];
	v18 =	vadd.f32 v26, v18;
	v19 =	vadd.f32 v27, v19  }
0x16b: {  	v16 =	vadd.f32 v13, v16;
	v13 =	vld [tilespmem:s19+$0x8440];
	v17 =	vadd.f32 v15, v17  }
0x16c: {  	v15 =	vld [tilespmem:s19+$0x8450];
	v18 =	vadd.f32 v28, v18;
	v19 =	vadd.f32 v29, v19  }
0x16d: {  	v16 =	vadd.f32 v9, v16;
	v9 =	vld [tilespmem:s19+$0x8400];
	v17 =	vadd.f32 v11, v17  }
0x16e: {  	v11 =	vld [tilespmem:s19+$0x8410];
	v18 =	vadd.f32 v30, v18;
	v19 =	vadd.f32 v31, v19  }
0x16f: {  	v5 =	vadd.f32 v5, v16;
	v16 =	vld [tilespmem:s19+$0x8040];
	v7 =	vadd.f32 v7, v17  }
0x170: {  	v17 =	vld [tilespmem:s19+$0x8050];
	v20 =	vadd.f32 v32, v18;
	v19 =	vadd.f32 v33, v19  }
0x171: {  	v1 =	vadd.f32 v1, v5;
	v18 =	vld [tilespmem:s19+$0x8000];
	v3 =	vadd.f32 v3, v7  }
0x172: {  	s21 =	simm.s32 $0x200;
	v5 =	vadd.f32 v34, v20;
	v7 =	vadd.f32 v35, v19;
	v19 =	vld [tilespmem:s19+$0x8010]  }
.LBB2_12:
0x173: {  	p0 =	sne.s32 s21, $0x7E00;
	v20 =	vld [tilespmem:s19+$0x8020]  }
0x174: {  	v21 =	vld [tilespmem:s19+$0x8030]  }
0x175: {  	v22 =	vld [tilespmem:s19+$0x8060]  }
0x176: {  	v23 =	vld [tilespmem:s19+$0x8070]  }
0x177: {  	v24 =	vld [tilespmem:s19+$0x8420]  }
0x178: {  	v1 =	vadd.f32 v18, v1;
	v3 =	vadd.f32 v19, v3;
	v18 =	vld [tilespmem:s19+$0x8430]  }
0x179: {  	v5 =	vadd.f32 v20, v5;
	v7 =	vadd.f32 v21, v7;
	v19 =	vld [tilespmem:s19+$0x8460]  }
0x17a: {  	v1 =	vadd.f32 v16, v1;
	v3 =	vadd.f32 v17, v3;
	v16 =	vld [tilespmem:s19+$0x8470]  }
0x17b: {  	v5 =	vadd.f32 v22, v5;
	v7 =	vadd.f32 v23, v7;
	v17 =	vld [tilespmem:s19+$0x8820]  }
0x17c: {  	v1 =	vadd.f32 v9, v1;
	v3 =	vadd.f32 v11, v3;
	v9 =	vld [tilespmem:s19+$0x8830]  }
0x17d: {  	v5 =	vadd.f32 v24, v5;
	v7 =	vadd.f32 v18, v7;
	v11 =	vld [tilespmem:s19+$0x8860]  }
0x17e: {  	v1 =	vadd.f32 v13, v1;
	v3 =	vadd.f32 v15, v3;
	v13 =	vld [tilespmem:s19+$0x8870]  }
0x17f: {  	v5 =	vadd.f32 v19, v5;
	v7 =	vadd.f32 v16, v7;
	v15 =	vld [tilespmem:s19+$0x8C20]  }
0x180: {  	s20 =	sadd.s32 $0x80, s20;
	v1 =	vadd.f32 v12, v1;
	v3 =	vadd.f32 v14, v3;
	v12 =	vld [tilespmem:s19+$0x8C30]  }
0x181: {  	s22 =	sand.u32 $0x7000, s21;
	s23 =	sand.u32 $0x380, s20;
	v5 =	vadd.f32 v17, v5;
	v7 =	vadd.f32 v9, v7;
	v9 =	vld [tilespmem:s19+$0x8C60]  }
0x182: {  	v1 =	vadd.f32 v8, v1;
	v3 =	vadd.f32 v10, v3;
	v10 =	vld [tilespmem:s19+$0x8C70];
	s19 =	sor.u32 s23, s22  }
0x183: {  	v5 =	vadd.f32 v11, v5;
	v14 =	vld [tilespmem:s19+$0x8C40];
	v7 =	vadd.f32 v13, v7  }
0x184: {  	v1 =	vadd.f32 v4, v1;
	v3 =	vadd.f32 v6, v3;
	v11 =	vld [tilespmem:s19+$0x8C50]  }
0x185: {  	v5 =	vadd.f32 v15, v5;
	v4 =	vld [tilespmem:s19+$0x8C00];
	v7 =	vadd.f32 v12, v7  }
0x186: {  	v1 =	vadd.f32 v0, v1;
	v3 =	vadd.f32 v2, v3;
	v6 =	vld [tilespmem:s19+$0x8C10]  }
0x187: {  	v5 =	vadd.f32 v9, v5;
	v8 =	vld [tilespmem:s19+$0x8840];
	v7 =	vadd.f32 v10, v7  }
0x188: {  	v10 =	vld [tilespmem:s19+$0x8850];
	v0 =	vmov v14  }
0x189: {  	v12 =	vld [tilespmem:s19+$0x8800];
	v2 =	vmov v11  }
0x18a: {  	v14 =	vld [tilespmem:s19+$0x8810]  }
0x18b: {  	v13 =	vld [tilespmem:s19+$0x8440]  }
0x18c: {  	v15 =	vld [tilespmem:s19+$0x8450]  }
0x18d: {  	v9 =	vld [tilespmem:s19+$0x8400]  }
.Ltmp5:
0x18e: {  	v11 =	vld [tilespmem:s19+$0x8410];
	(pc) =	sbr.rel @p0 .LBB2_12-.Ltmp5, $4  }
0x18f: {  	v16 =	vld [tilespmem:s19+$0x8040]  }
0x190: {  	v17 =	vld [tilespmem:s19+$0x8050]  }
0x191: {  	v18 =	vld [tilespmem:s19+$0x8000]  }
0x192: {  	s21 =	sadd.s32 $0x200, s21;
	v19 =	vld [tilespmem:s19+$0x8010]  }
0x193: {  	v20 =	vld [tilespmem:s19+$0x8020]  }
0x194: {  	v21 =	vld [tilespmem:s19+$0x8030]  }
0x195: {  	v22 =	vld [tilespmem:s19+$0x8060]  }
0x196: {  	v23 =	vld [tilespmem:s19+$0x8070]  }
0x197: {  	v24 =	vld [tilespmem:s19+$0x8420]  }
0x198: {  	v25 =	vld [tilespmem:s19+$0x8430]  }
0x199: {  	v26 =	vld [tilespmem:s19+$0x8460]  }
0x19a: {  	v27 =	vld [tilespmem:s19+$0x8470]  }
0x19b: {  	v28 =	vld [tilespmem:s19+$0x8820]  }
0x19c: {  	v29 =	vld [tilespmem:s19+$0x8830]  }
0x19d: {  	v30 =	vld [tilespmem:s19+$0x8860]  }
0x19e: {  	v31 =	vld [tilespmem:s19+$0x8870]  }
0x19f: {  	v32 =	vld [tilespmem:s19+$0x8C20]  }
0x1a0: {  	v33 =	vld [tilespmem:s19+$0x8C30]  }
0x1a1: {  	v34 =	vld [tilespmem:s19+$0x8C60];
	s20 =	simm.s32 $0x0  }
0x1a2: {  	v35 =	vld [tilespmem:s19+$0x8C70];
	[tilespmem:s13], [sflag:$0x2] =	stream.linear.gather [hbm4b:s10+s20], $0x8000, $0x38  }
0x1a3: {  	_ =	swait.ge [sflag:s14], $0x8000  }
0x1a4: {  	s31 =	sand.u32 $0x7000, s20;
	s21 =	sand.u32 $0x380, s20;
	[sflag:s14] =	ssyncset.done $0x0  }
0x1a5: {  	s19 =	sor.u32 s21, s31;
	[sflag:s14] =	ssyncadd.s32 $0xFFFF8000  }
0x1a6: {  	v18 =	vadd.f32 v18, v1;
	v19 =	vadd.f32 v19, v3;
	v1 =	vld [tilespmem:s19+$0xC40]  }
0x1a7: {  	v20 =	vadd.f32 v20, v5;
	v7 =	vadd.f32 v21, v7;
	v3 =	vld [tilespmem:s19+$0xC50]  }
0x1a8: {  	v16 =	vadd.f32 v16, v18;
	v5 =	vld [tilespmem:s19+$0xC00];
	v17 =	vadd.f32 v17, v19  }
0x1a9: {  	v18 =	vadd.f32 v22, v20;
	v19 =	vadd.f32 v23, v7;
	v7 =	vld [tilespmem:s19+$0xC10]  }
0x1aa: {  	v16 =	vadd.f32 v9, v16;
	v9 =	vld [tilespmem:s19+$0x840];
	v17 =	vadd.f32 v11, v17  }
0x1ab: {  	v11 =	vld [tilespmem:s19+$0x850];
	v18 =	vadd.f32 v24, v18;
	v19 =	vadd.f32 v25, v19  }
0x1ac: {  	v16 =	vadd.f32 v13, v16;
	v13 =	vld [tilespmem:s19+$0x800];
	v17 =	vadd.f32 v15, v17  }
0x1ad: {  	v15 =	vld [tilespmem:s19+$0x810];
	v18 =	vadd.f32 v26, v18;
	v19 =	vadd.f32 v27, v19  }
0x1ae: {  	v16 =	vadd.f32 v12, v16;
	v12 =	vld [tilespmem:s19+$0x440];
	v17 =	vadd.f32 v14, v17  }
0x1af: {  	v14 =	vld [tilespmem:s19+$0x450];
	v18 =	vadd.f32 v28, v18;
	v19 =	vadd.f32 v29, v19  }
0x1b0: {  	v16 =	vadd.f32 v8, v16;
	v8 =	vld [tilespmem:s19+$0x400];
	v17 =	vadd.f32 v10, v17  }
0x1b1: {  	v10 =	vld [tilespmem:s19+$0x410];
	v18 =	vadd.f32 v30, v18;
	v19 =	vadd.f32 v31, v19  }
0x1b2: {  	v4 =	vadd.f32 v4, v16;
	v16 =	vld [tilespmem:s19+$0x40];
	v6 =	vadd.f32 v6, v17  }
0x1b3: {  	v17 =	vld [tilespmem:s19+$0x50];
	v20 =	vadd.f32 v32, v18;
	v19 =	vadd.f32 v33, v19  }
0x1b4: {  	v0 =	vadd.f32 v0, v4;
	v18 =	vld [tilespmem:s19+$0x0];
	v2 =	vadd.f32 v2, v6  }
0x1b5: {  	s21 =	simm.s32 $0x200;
	v4 =	vadd.f32 v34, v20;
	v6 =	vadd.f32 v35, v19;
	v19 =	vld [tilespmem:s19+$0x10]  }
.LBB2_14:
0x1b6: {  	p0 =	sne.s32 s21, $0x7E00;
	v20 =	vld [tilespmem:s19+$0x20]  }
0x1b7: {  	v21 =	vld [tilespmem:s19+$0x30]  }
0x1b8: {  	v22 =	vld [tilespmem:s19+$0x60]  }
0x1b9: {  	v23 =	vld [tilespmem:s19+$0x70]  }
0x1ba: {  	v24 =	vld [tilespmem:s19+$0x420]  }
0x1bb: {  	v0 =	vadd.f32 v18, v0;
	v2 =	vadd.f32 v19, v2;
	v18 =	vld [tilespmem:s19+$0x430]  }
0x1bc: {  	v4 =	vadd.f32 v20, v4;
	v6 =	vadd.f32 v21, v6;
	v19 =	vld [tilespmem:s19+$0x460]  }
0x1bd: {  	v0 =	vadd.f32 v16, v0;
	v2 =	vadd.f32 v17, v2;
	v16 =	vld [tilespmem:s19+$0x470]  }
0x1be: {  	v4 =	vadd.f32 v22, v4;
	v6 =	vadd.f32 v23, v6;
	v17 =	vld [tilespmem:s19+$0x820]  }
0x1bf: {  	v0 =	vadd.f32 v8, v0;
	v2 =	vadd.f32 v10, v2;
	v8 =	vld [tilespmem:s19+$0x830]  }
0x1c0: {  	v4 =	vadd.f32 v24, v4;
	v6 =	vadd.f32 v18, v6;
	v10 =	vld [tilespmem:s19+$0x860]  }
0x1c1: {  	v0 =	vadd.f32 v12, v0;
	v2 =	vadd.f32 v14, v2;
	v12 =	vld [tilespmem:s19+$0x870]  }
0x1c2: {  	v4 =	vadd.f32 v19, v4;
	v6 =	vadd.f32 v16, v6;
	v14 =	vld [tilespmem:s19+$0xC20]  }
0x1c3: {  	s20 =	sadd.s32 $0x80, s20;
	v0 =	vadd.f32 v13, v0;
	v2 =	vadd.f32 v15, v2;
	v13 =	vld [tilespmem:s19+$0xC30]  }
0x1c4: {  	s22 =	sand.u32 $0x7000, s21;
	s23 =	sand.u32 $0x380, s20;
	v4 =	vadd.f32 v17, v4;
	v6 =	vadd.f32 v8, v6;
	v8 =	vld [tilespmem:s19+$0xC60]  }
0x1c5: {  	v0 =	vadd.f32 v9, v0;
	v2 =	vadd.f32 v11, v2;
	v11 =	vld [tilespmem:s19+$0xC70];
	s19 =	sor.u32 s23, s22  }
0x1c6: {  	v4 =	vadd.f32 v10, v4;
	v15 =	vld [tilespmem:s19+$0xC40];
	v6 =	vadd.f32 v12, v6  }
0x1c7: {  	v0 =	vadd.f32 v5, v0;
	v2 =	vadd.f32 v7, v2;
	v10 =	vld [tilespmem:s19+$0xC50]  }
0x1c8: {  	v4 =	vadd.f32 v14, v4;
	v5 =	vld [tilespmem:s19+$0xC00];
	v6 =	vadd.f32 v13, v6  }
0x1c9: {  	v0 =	vadd.f32 v1, v0;
	v2 =	vadd.f32 v3, v2;
	v7 =	vld [tilespmem:s19+$0xC10]  }
0x1ca: {  	v4 =	vadd.f32 v8, v4;
	v9 =	vld [tilespmem:s19+$0x840];
	v6 =	vadd.f32 v11, v6  }
0x1cb: {  	v11 =	vld [tilespmem:s19+$0x850];
	v1 =	vmov v15  }
0x1cc: {  	v13 =	vld [tilespmem:s19+$0x800];
	v3 =	vmov v10  }
0x1cd: {  	v15 =	vld [tilespmem:s19+$0x810]  }
0x1ce: {  	v12 =	vld [tilespmem:s19+$0x440]  }
0x1cf: {  	v14 =	vld [tilespmem:s19+$0x450]  }
0x1d0: {  	v8 =	vld [tilespmem:s19+$0x400]  }
.Ltmp6:
0x1d1: {  	v10 =	vld [tilespmem:s19+$0x410];
	(pc) =	sbr.rel @p0 .LBB2_14-.Ltmp6, $4  }
0x1d2: {  	v16 =	vld [tilespmem:s19+$0x40]  }
0x1d3: {  	v17 =	vld [tilespmem:s19+$0x50]  }
0x1d4: {  	v18 =	vld [tilespmem:s19+$0x0]  }
0x1d5: {  	s21 =	sadd.s32 $0x200, s21;
	v19 =	vld [tilespmem:s19+$0x10]  }
0x1d6: {  	v20 =	vld [tilespmem:s19+$0x20]  }
0x1d7: {  	v21 =	vld [tilespmem:s19+$0x30]  }
0x1d8: {  	v22 =	vld [tilespmem:s19+$0x60]  }
0x1d9: {  	v23 =	vld [tilespmem:s19+$0x70]  }
0x1da: {  	v24 =	vld [tilespmem:s19+$0x420]  }
0x1db: {  	v25 =	vld [tilespmem:s19+$0x430]  }
0x1dc: {  	v26 =	vld [tilespmem:s19+$0x460]  }
0x1dd: {  	v27 =	vld [tilespmem:s19+$0x470]  }
0x1de: {  	v28 =	vld [tilespmem:s19+$0x820]  }
0x1df: {  	v29 =	vld [tilespmem:s19+$0x830]  }
0x1e0: {  	v30 =	vld [tilespmem:s19+$0x860]  }
0x1e1: {  	v31 =	vld [tilespmem:s19+$0x870]  }
0x1e2: {  	v32 =	vld [tilespmem:s19+$0xC20]  }
0x1e3: {  	v33 =	vld [tilespmem:s19+$0xC30]  }
0x1e4: {  	v34 =	vld [tilespmem:s19+$0xC60]  }
0x1e5: {  	v35 =	vld [tilespmem:s19+$0xC70];
	_ =	swait.ge [sflag:s15], $0x8000;
	s20 =	simm.s32 $0x0  }
0x1e6: {  	[sflag:s15] =	ssyncset.done $0x0;
	s31 =	sand.u32 $0x7000, s20;
	s21 =	sand.u32 $0x380, s20  }
0x1e7: {  	[sflag:s15] =	ssyncadd.s32 $0xFFFF8000;
	s19 =	sor.u32 s21, s31  }
0x1e8: {  	v18 =	vadd.f32 v18, v0;
	v0 =	vld [tilespmem:s19+$0x8C40];
	v19 =	vadd.f32 v19, v2  }
0x1e9: {  	v2 =	vld [tilespmem:s19+$0x8C50];
	v20 =	vadd.f32 v20, v4;
	v6 =	vadd.f32 v21, v6  }
0x1ea: {  	v16 =	vadd.f32 v16, v18;
	v4 =	vld [tilespmem:s19+$0x8C00];
	v17 =	vadd.f32 v17, v19  }
0x1eb: {  	v18 =	vadd.f32 v22, v20;
	v19 =	vadd.f32 v23, v6;
	v6 =	vld [tilespmem:s19+$0x8C10]  }
0x1ec: {  	v16 =	vadd.f32 v8, v16;
	v8 =	vld [tilespmem:s19+$0x8840];
	v17 =	vadd.f32 v10, v17  }
0x1ed: {  	v10 =	vld [tilespmem:s19+$0x8850];
	v18 =	vadd.f32 v24, v18;
	v19 =	vadd.f32 v25, v19  }
0x1ee: {  	v16 =	vadd.f32 v12, v16;
	v12 =	vld [tilespmem:s19+$0x8800];
	v17 =	vadd.f32 v14, v17  }
0x1ef: {  	v14 =	vld [tilespmem:s19+$0x8810];
	v18 =	vadd.f32 v26, v18;
	v19 =	vadd.f32 v27, v19  }
0x1f0: {  	v16 =	vadd.f32 v13, v16;
	v13 =	vld [tilespmem:s19+$0x8440];
	v17 =	vadd.f32 v15, v17  }
0x1f1: {  	v15 =	vld [tilespmem:s19+$0x8450];
	v18 =	vadd.f32 v28, v18;
	v19 =	vadd.f32 v29, v19  }
0x1f2: {  	v16 =	vadd.f32 v9, v16;
	v9 =	vld [tilespmem:s19+$0x8400];
	v17 =	vadd.f32 v11, v17  }
0x1f3: {  	v11 =	vld [tilespmem:s19+$0x8410];
	v18 =	vadd.f32 v30, v18;
	v19 =	vadd.f32 v31, v19  }
0x1f4: {  	v5 =	vadd.f32 v5, v16;
	v16 =	vld [tilespmem:s19+$0x8040];
	v7 =	vadd.f32 v7, v17  }
0x1f5: {  	v17 =	vld [tilespmem:s19+$0x8050];
	v20 =	vadd.f32 v32, v18;
	v19 =	vadd.f32 v33, v19  }
0x1f6: {  	v5 =	vadd.f32 v1, v5;
	v18 =	vld [tilespmem:s19+$0x8000];
	v3 =	vadd.f32 v3, v7  }
0x1f7: {  	s21 =	simm.s32 $0x200;
	v7 =	vadd.f32 v34, v20;
	v1 =	vadd.f32 v35, v19;
	v19 =	vld [tilespmem:s19+$0x8010]  }
.LBB2_16:
0x1f8: {  	p0 =	sne.s32 s21, $0x7E00;
	v20 =	vld [tilespmem:s19+$0x8020]  }
0x1f9: {  	v21 =	vld [tilespmem:s19+$0x8030]  }
0x1fa: {  	v22 =	vld [tilespmem:s19+$0x8060]  }
0x1fb: {  	v23 =	vld [tilespmem:s19+$0x8070]  }
0x1fc: {  	v24 =	vld [tilespmem:s19+$0x8420]  }
0x1fd: {  	v5 =	vadd.f32 v18, v5;
	v3 =	vadd.f32 v19, v3;
	v18 =	vld [tilespmem:s19+$0x8430]  }
0x1fe: {  	v7 =	vadd.f32 v20, v7;
	v1 =	vadd.f32 v21, v1;
	v19 =	vld [tilespmem:s19+$0x8460]  }
0x1ff: {  	v5 =	vadd.f32 v16, v5;
	v3 =	vadd.f32 v17, v3;
	v16 =	vld [tilespmem:s19+$0x8470]  }
0x200: {  	v7 =	vadd.f32 v22, v7;
	v1 =	vadd.f32 v23, v1;
	v17 =	vld [tilespmem:s19+$0x8820]  }
0x201: {  	v5 =	vadd.f32 v9, v5;
	v3 =	vadd.f32 v11, v3;
	v9 =	vld [tilespmem:s19+$0x8830]  }
0x202: {  	v7 =	vadd.f32 v24, v7;
	v1 =	vadd.f32 v18, v1;
	v11 =	vld [tilespmem:s19+$0x8860]  }
0x203: {  	v5 =	vadd.f32 v13, v5;
	v3 =	vadd.f32 v15, v3;
	v13 =	vld [tilespmem:s19+$0x8870]  }
0x204: {  	v7 =	vadd.f32 v19, v7;
	v1 =	vadd.f32 v16, v1;
	v15 =	vld [tilespmem:s19+$0x8C20]  }
0x205: {  	s20 =	sadd.s32 $0x80, s20;
	v5 =	vadd.f32 v12, v5;
	v3 =	vadd.f32 v14, v3;
	v12 =	vld [tilespmem:s19+$0x8C30]  }
0x206: {  	s22 =	sand.u32 $0x7000, s21;
	s23 =	sand.u32 $0x380, s20;
	v7 =	vadd.f32 v17, v7;
	v1 =	vadd.f32 v9, v1;
	v9 =	vld [tilespmem:s19+$0x8C60]  }
0x207: {  	v5 =	vadd.f32 v8, v5;
	v3 =	vadd.f32 v10, v3;
	v10 =	vld [tilespmem:s19+$0x8C70];
	s19 =	sor.u32 s23, s22  }
0x208: {  	v7 =	vadd.f32 v11, v7;
	v14 =	vld [tilespmem:s19+$0x8C40];
	v1 =	vadd.f32 v13, v1  }
0x209: {  	v5 =	vadd.f32 v4, v5;
	v3 =	vadd.f32 v6, v3;
	v11 =	vld [tilespmem:s19+$0x8C50]  }
0x20a: {  	v7 =	vadd.f32 v15, v7;
	v4 =	vld [tilespmem:s19+$0x8C00];
	v1 =	vadd.f32 v12, v1  }
0x20b: {  	v5 =	vadd.f32 v0, v5;
	v3 =	vadd.f32 v2, v3;
	v6 =	vld [tilespmem:s19+$0x8C10]  }
0x20c: {  	v7 =	vadd.f32 v9, v7;
	v8 =	vld [tilespmem:s19+$0x8840];
	v1 =	vadd.f32 v10, v1  }
0x20d: {  	v10 =	vld [tilespmem:s19+$0x8850];
	v0 =	vmov v14  }
0x20e: {  	v12 =	vld [tilespmem:s19+$0x8800];
	v2 =	vmov v11  }
0x20f: {  	v14 =	vld [tilespmem:s19+$0x8810]  }
0x210: {  	v13 =	vld [tilespmem:s19+$0x8440]  }
0x211: {  	v15 =	vld [tilespmem:s19+$0x8450]  }
0x212: {  	v9 =	vld [tilespmem:s19+$0x8400]  }
.Ltmp7:
0x213: {  	v11 =	vld [tilespmem:s19+$0x8410];
	(pc) =	sbr.rel @p0 .LBB2_16-.Ltmp7, $4  }
0x214: {  	v16 =	vld [tilespmem:s19+$0x8040]  }
0x215: {  	v17 =	vld [tilespmem:s19+$0x8050]  }
0x216: {  	v18 =	vld [tilespmem:s19+$0x8000]  }
0x217: {  	s21 =	sadd.s32 $0x200, s21;
	v19 =	vld [tilespmem:s19+$0x8010]  }
0x218: {  	v20 =	vld [tilespmem:s19+$0x8020]  }
0x219: {  	v21 =	vld [tilespmem:s19+$0x8030]  }
0x21a: {  	v22 =	vld [tilespmem:s19+$0x8060]  }
0x21b: {  	v23 =	vld [tilespmem:s19+$0x8070]  }
0x21c: {  	v24 =	vld [tilespmem:s19+$0x8420];
	v5 =	vadd.f32 v18, v5;
	v3 =	vadd.f32 v19, v3  }
0x21d: {  	v51 =	vld [tilespmem:s19+$0x8430];
	v7 =	vadd.f32 v20, v7  }
0x21e: {  	v52 =	vld [tilespmem:s19+$0x8460];
	v5 =	vadd.f32 v16, v5;
	v3 =	vadd.f32 v17, v3  }
0x21f: {  	v53 =	vld [tilespmem:s19+$0x8470];
	v1 =	vadd.f32 v21, v1;
	v7 =	vadd.f32 v22, v7  }
0x220: {  	v54 =	vld [tilespmem:s19+$0x8820];
	v5 =	vadd.f32 v9, v5;
	v3 =	vadd.f32 v11, v3  }
0x221: {  	v55 =	vld [tilespmem:s19+$0x8830];
	v1 =	vadd.f32 v23, v1;
	v7 =	vadd.f32 v24, v7  }
0x222: {  	v56 =	vld [tilespmem:s19+$0x8860];
	v5 =	vadd.f32 v13, v5;
	v3 =	vadd.f32 v15, v3  }
0x223: {  	v57 =	vld [tilespmem:s19+$0x8870];
	v1 =	vadd.f32 v51, v1;
	v7 =	vadd.f32 v52, v7  }
0x224: {  	v58 =	vld [tilespmem:s19+$0x8C20];
	v5 =	vadd.f32 v12, v5;
	v3 =	vadd.f32 v14, v3  }
0x225: {  	v1 =	vadd.f32 v53, v1;
	v7 =	vadd.f32 v54, v7  }
0x226: {  	v59 =	vld [tilespmem:s19+$0x8C30];
	v5 =	vadd.f32 v8, v5;
	v3 =	vadd.f32 v10, v3  }
0x227: {  	v60 =	vld [tilespmem:s19+$0x8C60];
	v1 =	vadd.f32 v55, v1;
	v7 =	vadd.f32 v56, v7  }
0x228: {  	v4 =	vadd.f32 v4, v5;
	v3 =	vadd.f32 v6, v3  }
0x229: {  	v61 =	vld [tilespmem:s19+$0x8C70];
	v1 =	vadd.f32 v57, v1;
	v62 =	vadd.f32 v58, v7  }
0x22a: {  	v0 =	vadd.f32 v0, v4;
	v2 =	vadd.f32 v2, v3  }
0x22b: {  	v1 =	vadd.f32 v59, v1  }
0x22c: {  	v63 =	vadd.f32 v60, v62;
	v0 =	vadd.f32 v2, v0;
	_ =	sdelay $0x1  }
0x22d: {  	v1 =	vadd.f32 v61, v1;
	v0 =	vadd.f32 v63, v0;
	_ =	sdelay $0x1  }
0x22e: {  	s18 =	sadd.s32 $0x1, s18;
	v0 =	vadd.f32 v1, v0  }
0x22f: {  	p0 =	sne.s32 s18, s12  }
.Ltmp8:
0x230: {  	[tilespmem:$0x10000] =	vst v0;
	(pc) =	sbr.rel @p0 .LBB2_1-.Ltmp8, $4  }
0x231: {  	[hbm4b:s11+s2] =	stream.linear.scatter [tilespmem:s16], [sflag:$0x3], $0x80, $0x38;
	[tilespmem:$0x10080] =	vst v63  }
0x232: {  	_ =	swait.ge [sflag:s17], $0x80  }
0x233: {  	[sflag:s17] =	ssyncset.done $0x0  }
0x234: {  	[sflag:s17] =	ssyncadd.s32 $0xFFFFFF80  }
0x235: {  	_ =	sfence.sel $0x180000  }
0x236: {  	[bflag:$0x0] =	sbarrier.arrive $0xFFFF  }
0x237: {  	p0 =	sne.s32 s1, $0x0;
	_ =	strace $0x90000047  }
0x238: {  	s0 =	sadd.s32 @!p0 $0x100000, s0;
	[bflag:$0x2] =	sbarrier.arrive $0xFFFF  }
0x239: {  	[sflag:s0] =	ssyncadd.tile.s32 @!p0 $0x1;
	_ =	shalt  }
.Lfunc_end2:
_tile_overlayer_lowered:
.L_overlay_start_2:
0x23a: {  	(tag) =	ssettag $0x2  }
0x23b: {  	s0 =	rddreg [dreg:$0x0];
	s2 =	stileid.u32  }
0x23c: {  	s1 =	rddreg [dreg:$0x1];
	p0 =	sne.s32 s2, $0x0  }
0x23d: {  	s3 =	rddreg [dreg:$0x2];
	[bflag:$0x3] =	sbarrier.arrive $0xFFFF;
	s2 =	simm.s32 @!p0 $0x1C03  }
0x23e: {  	[timem:s3], [sflag:s2] =	dma.local @!p0 [hbm:s0], s1  }
0x23f: {  	s0 =	simm.s32 @!p0 $0x3  }
0x240: {  	_ =	swait.ge @!p0 [sflag:s0], s1  }
0x241: {  	s1 =	ssub.s32 @!p0 $0x0, s1;
	[sflag:s0] =	ssyncset.done @!p0 $0x0  }
0x242: {  	[sflag:s0] =	ssyncadd.s32 @!p0 s1  }
0x243: {  	[bflag:$0x3] =	sbarrier.arrive $0xFFFF  }
0x244: {  	_ =	shalt  }

</sc_bundles>
